<compile_context>
chip_gen: v7x
topology: tpu7x:2x2x1
jax: 0.10.2.dev20260603
libtpu: 0.0.44.dev20260713+nightly
codegen_flags: <defaults>
</compile_context>

<pallas_src>
import functools

import jax
import jax.numpy as jnp
import numpy as np
from jax import lax
from jax.experimental import pallas as pl
from jax.experimental.pallas import tpu as pltpu
from jax.experimental.pallas import tpu_sc as plsc

B, A, C = 16, 65536, 16
N = B * A
NC, NS, L = 2, 16, 16
NW = NC * NS
HALF = A // 2
CHUNK = 1024
NCHUNK = HALF // CHUNK
GROUPS = CHUNK // L
UNROLL = 2

_LN2 = float(np.log(2.0))

_xs = np.linspace(1.0, 2.0, 8193)
_LOG2_COEFS = tuple(
    float(c)
    for c in np.polynomial.chebyshev.Chebyshev.fit(_xs, np.log2(_xs), 4)
    .convert(kind=np.polynomial.Polynomial)
    .coef
)

_M = 11.0


def _log2_from_bits(s):
    bits = plsc.bitcast(s, jnp.int32)
    e = (bits >> 23) - 127
    mant = plsc.bitcast((bits & 0x007FFFFF) | 0x3F800000, jnp.float32)
    p = jnp.full((L,), _LOG2_COEFS[-1], dtype=jnp.float32)
    for coef in _LOG2_COEFS[-2::-1]:
        p = p * mant + coef
    return e.astype(jnp.float32) + p


def _tree(op, xs):
    while len(xs) > 1:
        nxt = [op(xs[i], xs[i + 1]) for i in range(0, len(xs) - 1, 2)]
        if len(xs) % 2:
            nxt.append(xs[-1])
        xs = nxt
    return xs[0]


def _sc_body(logits_hbm, labels_hbm, tags_hbm, acc_hbm, cnt_hbm,
             logits_b0, logits_b1, labels_b0, labels_b1, tags_b0, tags_b1,
             out_v, sem0, sem1):
    wid = lax.axis_index("c") * NS + lax.axis_index("s")
    b = wid // 2
    abase = (wid % 2) * HALF
    iota = lax.iota(jnp.int32, L)

    bufs = ((logits_b0, labels_b0, tags_b0, sem0),
            (logits_b1, labels_b1, tags_b1, sem1))

    def issue(j, par):
        lg, lb, tg, sem = bufs[par]
        a0 = abase + j * CHUNK
        pltpu.async_copy(logits_hbm.at[b, :, pl.ds(a0, CHUNK)], lg, sem)
        pltpu.async_copy(labels_hbm.at[b, pl.ds(a0, CHUNK)], lb, sem)
        pltpu.async_copy(tags_hbm.at[b, pl.ds(a0, CHUNK)], tg, sem)

    def drain(par):
        lg, lb, tg, sem = bufs[par]
        pltpu.make_async_copy(logits_hbm.at[b, :, pl.ds(abase, CHUNK)],
                              lg, sem).wait()
        pltpu.make_async_copy(labels_hbm.at[b, pl.ds(abase, CHUNK)],
                              lb, sem).wait()
        pltpu.make_async_copy(tags_hbm.at[b, pl.ds(abase, CHUNK)],
                              tg, sem).wait()

    def do_group(gbase, buf, acc, cnt):
        lg, lb, tg, _ = buf
        cols = [lg[c, pl.ds(gbase, L)] for c in range(C)]
        s = _tree(jnp.add, [jnp.exp(col) for col in cols])
        lse = _LN2 * _log2_from_bits(s)
        lab = lb[pl.ds(gbase, L)]
        vlab = plsc.load_gather(lg, [lab, gbase + iota])
        tag = tg[pl.ds(gbase, L)]
        w = tag * tag
        acc = acc + (lse - vlab) * w
        cnt = cnt + w
        return acc, cnt

    def process(par, carry):
        def chunk_loop(g, cr):
            return do_group(g, bufs[par], cr[0], cr[1])

        return plsc.parallel_loop(
            0, CHUNK, L, unroll=UNROLL, carry=carry
        )(chunk_loop)

    zero = jnp.zeros((L,), jnp.float32)
    carry = (zero, zero)

    issue(jnp.int32(0), 0)
    issue(jnp.int32(1), 1)

    def chunk_pair(h, carry):
        j0 = h * 2
        drain(0)
        carry = process(0, carry)

        @pl.when(j0 + 2 < NCHUNK)
        def _():
            issue(j0 + 2, 0)

        drain(1)
        carry = process(1, carry)

        @pl.when(j0 + 3 < NCHUNK)
        def _():
            issue(j0 + 3, 1)

        return carry

    acc, cnt = lax.fori_loop(0, NCHUNK // 2, chunk_pair, carry)
    out_v[...] = acc
    pltpu.sync_copy(out_v, acc_hbm.at[wid])
    out_v[...] = cnt
    pltpu.sync_copy(out_v, cnt_hbm.at[wid])


@functools.partial(
    pl.kernel,
    out_type=(
        jax.ShapeDtypeStruct((NW, L), jnp.float32),
        jax.ShapeDtypeStruct((NW, L), jnp.float32),
    ),
    mesh=plsc.VectorSubcoreMesh(
        core_axis_name="c", subcore_axis_name="s", num_cores=NC,
        num_subcores=NS,
    ),
    scratch_types=[
        pltpu.VMEM((C, CHUNK), jnp.float32),
        pltpu.VMEM((C, CHUNK), jnp.float32),
        pltpu.VMEM((CHUNK,), jnp.int32),
        pltpu.VMEM((CHUNK,), jnp.int32),
        pltpu.VMEM((CHUNK,), jnp.float32),
        pltpu.VMEM((CHUNK,), jnp.float32),
        pltpu.VMEM((L,), jnp.float32),
        pltpu.SemaphoreType.DMA,
        pltpu.SemaphoreType.DMA,
    ],
    compiler_params=pltpu.CompilerParams(needs_layout_passes=False),
)
def _sc_partials(*args):
    _sc_body(*args)


def _finish_body(acc_ref, cnt_ref, out_ref):
    total = jnp.sum(acc_ref[...])
    count = jnp.sum(cnt_ref[...])
    out_ref[0, 0] = total / jnp.maximum(count, 1.0)


_finish = pl.pallas_call(
    _finish_body,
    out_shape=jax.ShapeDtypeStruct((1, 1), jnp.float32),
    out_specs=pl.BlockSpec(memory_space=pltpu.SMEM),
)


def kernel(predict_cls_logits, true_cls_ids, anchors_tag):
    logits_t = jnp.transpose(predict_cls_logits, (0, 2, 1))
    acc, cnt = _sc_partials(logits_t, true_cls_ids, anchors_tag)
    return _finish(acc, cnt)[0, 0]

# --- scband reference (transcript-rebuilt; emitter-appended) ---
"""Pipeline reference for scband-multi-cls-loss-81552839016896 (READ-ONLY COPY).

The authoritative reference and input builder live on the scoring server;
editing this copy changes nothing except your own understanding.
"""

import jax, jax.numpy as jnp
import numpy as np


def setup_inputs(seed: int = 0) -> dict:
    key = jax.random.key(seed)
    k1, k2, k3 = jax.random.split(key, 3)
    B, A, C = 16, 65536, 16
    predict_cls_logits = jax.random.normal(k1, (B, A, C), dtype=jnp.float32)
    true_cls_ids = jax.random.randint(k2, (B, A), 0, C, dtype=jnp.int32)
    # anchors_tag in {-1, 0, 1}: 1 positive, -1 negative, 0 ignore
    anchors_tag = (jax.random.randint(k3, (B, A), 0, 3, dtype=jnp.int32) - 1).astype(jnp.float32)
    return {"predict_cls_logits": predict_cls_logits, "true_cls_ids": true_cls_ids, "anchors_tag": anchors_tag}


def _cls_loss(predict_cls_logits, true_cls_ids, anchors_tag):
    # tf.where(not_equal(tag, 0)) + gather_nd -> masked mean over selected anchors
    num_classes = predict_cls_logits.shape[-1]
    mask = jnp.not_equal(anchors_tag, 0.0)
    labels = jax.nn.one_hot(true_cls_ids.astype(jnp.int32), num_classes, dtype=predict_cls_logits.dtype)
    logp = jax.nn.log_softmax(predict_cls_logits, axis=-1)
    per_anchor = -jnp.sum(labels * logp, axis=-1)  # [B, A]
    sel = jnp.where(mask, per_anchor, 0.0)
    cnt = jnp.maximum(jnp.sum(mask.astype(per_anchor.dtype)), 1.0)
    return jnp.sum(sel) / cnt


def reference(predict_cls_logits, true_cls_ids, anchors_tag):
    # Original module zips over lists of per-level tensors and averages; here a
    # single level is provided, so the final mean over the loss list equals the
    # single-level loss.
    loss_list = [_cls_loss(predict_cls_logits, true_cls_ids, anchors_tag)]
    loss = jnp.stack(loss_list, axis=0)
    return jnp.mean(loss)

if __name__ == "__main__":
    import jax
    _d = setup_inputs()
    print(jax.jit(kernel)(*tuple(_d.values())))

</pallas_src>

<mosaic_0001>
#map = affine_map<(d0, d1) -> (0, 0, 0)>
#map1 = affine_map<(d0, d1) -> (0, 0)>
module attributes {stable_mosaic.version = 14 : i64} {
  func.func @_sc_partials(%arg0: i32, %arg1: i32, %arg2: memref<16x16x65536xf32, #tpu.memory_space<hbm>>, %arg3: memref<16x65536xi32, #tpu.memory_space<hbm>>, %arg4: memref<16x65536xf32, #tpu.memory_space<hbm>>, %arg5: memref<32x16xf32, #tpu.memory_space<hbm>>, %arg6: memref<32x16xf32, #tpu.memory_space<hbm>>, %arg7: memref<16x1024xf32, #tpu.memory_space<vmem>>, %arg8: memref<16x1024xf32, #tpu.memory_space<vmem>>, %arg9: memref<1024xi32, #tpu.memory_space<vmem>>, %arg10: memref<1024xi32, #tpu.memory_space<vmem>>, %arg11: memref<1024xf32, #tpu.memory_space<vmem>>, %arg12: memref<1024xf32, #tpu.memory_space<vmem>>, %arg13: memref<16xf32, #tpu.memory_space<vmem>>, %arg14: memref<!tpu.dma_semaphore, #tpu.memory_space<semaphore_mem>>, %arg15: memref<!tpu.dma_semaphore, #tpu.memory_space<semaphore_mem>>) attributes {dimension_semantics = [#tpu.dimension_semantics<core_parallel>, #tpu.dimension_semantics<subcore_parallel>], iteration_bounds = array<i64: 2, 16>, scalar_prefetch = 0 : i64, scratch_operands = 9 : i64, tpu.core_type = #tpu.core_type<sc_vector_subcore>, window_params = [{transform_indices = #map}, {transform_indices = #map1}, {transform_indices = #map1}, {transform_indices = #map1}, {transform_indices = #map1}]} {
    %mul3A = arith.constant 16 : i32
    %mul3A_0 = arith.muli %arg0, %mul3A : i32
    %add3A = arith.addi %mul3A_0, %arg1 : i32
    %jit3A = arith.constant 2 : i32
    %div3A = arith.divsi %add3A, %jit3A : i32
    %sign3A = arith.constant 0 : i32
    %sign3A_1 = arith.cmpi sgt, %add3A, %sign3A : i32
    %sign3A_2 = arith.extui %sign3A_1 : i1 to i32
    %sign3A_3 = arith.constant 0 : i32
    %sign3A_4 = arith.cmpi slt, %add3A, %sign3A_3 : i32
    %sign3A_5 = arith.extui %sign3A_4 : i1 to i32
    %sign3A_6 = arith.subi %sign3A_2, %sign3A_5 : i32
    %sign3A_7 = arith.constant 0 : i32
    %sign3A_8 = arith.cmpi sgt, %jit3A, %sign3A_7 : i32
    %sign3A_9 = arith.extui %sign3A_8 : i1 to i32
    %sign3A_10 = arith.constant 0 : i32
    %sign3A_11 = arith.cmpi slt, %jit3A, %sign3A_10 : i32
    %sign3A_12 = arith.extui %sign3A_11 : i1 to i32
    %sign3A_13 = arith.subi %sign3A_9, %sign3A_12 : i32
    %ne3A = arith.cmpi ne, %sign3A_6, %sign3A_13 : i32
    %rem3A = arith.remsi %add3A, %jit3A : i32
    %ne3A_14 = arith.constant 0 : i32
    %ne3A_15 = arith.cmpi ne, %rem3A, %ne3A_14 : i32
    %and3A = arith.andi %ne3A, %ne3A_15 : i1
    %sub3A = arith.constant 1 : i32
    %sub3A_16 = arith.subi %div3A, %sub3A : i32
    %select_n3A = arith.select %and3A, %sub3A_16, %div3A : i32
    %jit3A_17 = arith.constant 2 : i32
    %eq3A = arith.constant 0 : i32
    %eq3A_18 = arith.cmpi eq, %jit3A_17, %eq3A : i32
    %jit3A_19 = arith.constant 1 : i32
    %select_n3A_20 = arith.select %eq3A_18, %jit3A_19, %jit3A_17 : i32
    %rem3A_21 = arith.remsi %add3A, %select_n3A_20 : i32
    %ne3A_22 = arith.constant 0 : i32
    %ne3A_23 = arith.cmpi ne, %rem3A_21, %ne3A_22 : i32
    %lt3A = arith.constant 0 : i32
    %lt3A_24 = arith.cmpi slt, %rem3A_21, %lt3A : i32
    %lt3A_25 = arith.constant 0 : i32
    %lt3A_26 = arith.cmpi slt, %select_n3A_20, %lt3A_25 : i32
    %ne3A_27 = arith.xori %lt3A_24, %lt3A_26 : i1
    %and3A_28 = arith.andi %ne3A_27, %ne3A_23 : i1
    %add3A_29 = arith.addi %rem3A_21, %select_n3A_20 : i32
    %select_n3A_30 = arith.select %and3A_28, %add3A_29, %rem3A_21 : i32
    %mul3A_31 = arith.constant 32768 : i32
    %mul3A_32 = arith.muli %select_n3A_30, %mul3A_31 : i32
    %iota3A = tpu.iota {dimensions = array<i32: 0>} : vector<16xi32>
    %broadcast_in_dim3A = arith.constant 0.000000e+00 : f32
    %broadcast_in_dim3A_33 = vector.broadcast %broadcast_in_dim3A : f32 to vector<16xf32>
    %mul3A_34 = arith.constant 0 : i32
    %mul3A_35 = arith.constant 1024 : i32
    %mul3A_36 = arith.muli %mul3A_34, %mul3A_35 : i32
    %add3A_37 = arith.addi %mul3A_32, %mul3A_36 : i32
    %dma_start3A = arith.constant 0 : i32
    %dma_start3A_38 = tpu.memref_slice %arg2[%select_n3A, %dma_start3A, %add3A_37] : memref<16x16x65536xf32, #tpu.memory_space<hbm>> -> memref<1x16x1024xf32, #tpu.memory_space<hbm>>
    %dma_start3A_39 = tpu.memref_squeeze %dma_start3A_38 : memref<1x16x1024xf32, #tpu.memory_space<hbm>> -> memref<16x1024xf32, #tpu.memory_space<hbm>>
    %dma_start3A_40 = arith.constant 0 : i32
    %dma_start3A_41 = tpu.memref_slice %arg2[%select_n3A, %dma_start3A_40, %add3A_37] : memref<16x16x65536xf32, #tpu.memory_space<hbm>> -> memref<1x16x1024xf32, #tpu.memory_space<hbm>>
    %dma_start3A_42 = tpu.memref_squeeze %dma_start3A_41 : memref<1x16x1024xf32, #tpu.memory_space<hbm>> -> memref<16x1024xf32, #tpu.memory_space<hbm>>
    tpu.enqueue_dma source(%dma_start3A_42 : memref<16x1024xf32, #tpu.memory_space<hbm>>) target(%arg7 : memref<16x1024xf32, #tpu.memory_space<vmem>>) target_semaphore(%arg14 : memref<!tpu.dma_semaphore, #tpu.memory_space<semaphore_mem>>)
    %dma_start3A_43 = tpu.memref_slice %arg3[%select_n3A, %add3A_37] : memref<16x65536xi32, #tpu.memory_space<hbm>> -> memref<1x1024xi32, #tpu.memory_space<hbm>>
    %dma_start3A_44 = tpu.memref_squeeze %dma_start3A_43 : memref<1x1024xi32, #tpu.memory_space<hbm>> -> memref<1024xi32, #tpu.memory_space<hbm>>
    %dma_start3A_45 = tpu.memref_slice %arg3[%select_n3A, %add3A_37] : memref<16x65536xi32, #tpu.memory_space<hbm>> -> memref<1x1024xi32, #tpu.memory_space<hbm>>
    %dma_start3A_46 = tpu.memref_squeeze %dma_start3A_45 : memref<1x1024xi32, #tpu.memory_space<hbm>> -> memref<1024xi32, #tpu.memory_space<hbm>>
    tpu.enqueue_dma source(%dma_start3A_46 : memref<1024xi32, #tpu.memory_space<hbm>>) target(%arg9 : memref<1024xi32, #tpu.memory_space<vmem>>) target_semaphore(%arg14 : memref<!tpu.dma_semaphore, #tpu.memory_space<semaphore_mem>>)
    %dma_start3A_47 = tpu.memref_slice %arg4[%select_n3A, %add3A_37] : memref<16x65536xf32, #tpu.memory_space<hbm>> -> memref<1x1024xf32, #tpu.memory_space<hbm>>
    %dma_start3A_48 = tpu.memref_squeeze %dma_start3A_47 : memref<1x1024xf32, #tpu.memory_space<hbm>> -> memref<1024xf32, #tpu.memory_space<hbm>>
    %dma_start3A_49 = tpu.memref_slice %arg4[%select_n3A, %add3A_37] : memref<16x65536xf32, #tpu.memory_space<hbm>> -> memref<1x1024xf32, #tpu.memory_space<hbm>>
    %dma_start3A_50 = tpu.memref_squeeze %dma_start3A_49 : memref<1x1024xf32, #tpu.memory_space<hbm>> -> memref<1024xf32, #tpu.memory_space<hbm>>
    tpu.enqueue_dma source(%dma_start3A_50 : memref<1024xf32, #tpu.memory_space<hbm>>) target(%arg11 : memref<1024xf32, #tpu.memory_space<vmem>>) target_semaphore(%arg14 : memref<!tpu.dma_semaphore, #tpu.memory_space<semaphore_mem>>)
    %mul3A_51 = arith.constant 1 : i32
    %mul3A_52 = arith.constant 1024 : i32
    %mul3A_53 = arith.muli %mul3A_51, %mul3A_52 : i32
    %add3A_54 = arith.addi %mul3A_32, %mul3A_53 : i32
    %dma_start3A_55 = arith.constant 0 : i32
    %dma_start3A_56 = tpu.memref_slice %arg2[%select_n3A, %dma_start3A_55, %add3A_54] : memref<16x16x65536xf32, #tpu.memory_space<hbm>> -> memref<1x16x1024xf32, #tpu.memory_space<hbm>>
    %dma_start3A_57 = tpu.memref_squeeze %dma_start3A_56 : memref<1x16x1024xf32, #tpu.memory_space<hbm>> -> memref<16x1024xf32, #tpu.memory_space<hbm>>
    %dma_start3A_58 = arith.constant 0 : i32
    %dma_start3A_59 = tpu.memref_slice %arg2[%select_n3A, %dma_start3A_58, %add3A_54] : memref<16x16x65536xf32, #tpu.memory_space<hbm>> -> memref<1x16x1024xf32, #tpu.memory_space<hbm>>
    %dma_start3A_60 = tpu.memref_squeeze %dma_start3A_59 : memref<1x16x1024xf32, #tpu.memory_space<hbm>> -> memref<16x1024xf32, #tpu.memory_space<hbm>>
    tpu.enqueue_dma source(%dma_start3A_60 : memref<16x1024xf32, #tpu.memory_space<hbm>>) target(%arg8 : memref<16x1024xf32, #tpu.memory_space<vmem>>) target_semaphore(%arg15 : memref<!tpu.dma_semaphore, #tpu.memory_space<semaphore_mem>>)
    %dma_start3A_61 = tpu.memref_slice %arg3[%select_n3A, %add3A_54] : memref<16x65536xi32, #tpu.memory_space<hbm>> -> memref<1x1024xi32, #tpu.memory_space<hbm>>
    %dma_start3A_62 = tpu.memref_squeeze %dma_start3A_61 : memref<1x1024xi32, #tpu.memory_space<hbm>> -> memref<1024xi32, #tpu.memory_space<hbm>>
    %dma_start3A_63 = tpu.memref_slice %arg3[%select_n3A, %add3A_54] : memref<16x65536xi32, #tpu.memory_space<hbm>> -> memref<1x1024xi32, #tpu.memory_space<hbm>>
    %dma_start3A_64 = tpu.memref_squeeze %dma_start3A_63 : memref<1x1024xi32, #tpu.memory_space<hbm>> -> memref<1024xi32, #tpu.memory_space<hbm>>
    tpu.enqueue_dma source(%dma_start3A_64 : memref<1024xi32, #tpu.memory_space<hbm>>) target(%arg10 : memref<1024xi32, #tpu.memory_space<vmem>>) target_semaphore(%arg15 : memref<!tpu.dma_semaphore, #tpu.memory_space<semaphore_mem>>)
    %dma_start3A_65 = tpu.memref_slice %arg4[%select_n3A, %add3A_54] : memref<16x65536xf32, #tpu.memory_space<hbm>> -> memref<1x1024xf32, #tpu.memory_space<hbm>>
    %dma_start3A_66 = tpu.memref_squeeze %dma_start3A_65 : memref<1x1024xf32, #tpu.memory_space<hbm>> -> memref<1024xf32, #tpu.memory_space<hbm>>
    %dma_start3A_67 = tpu.memref_slice %arg4[%select_n3A, %add3A_54] : memref<16x65536xf32, #tpu.memory_space<hbm>> -> memref<1x1024xf32, #tpu.memory_space<hbm>>
    %dma_start3A_68 = tpu.memref_squeeze %dma_start3A_67 : memref<1x1024xf32, #tpu.memory_space<hbm>> -> memref<1024xf32, #tpu.memory_space<hbm>>
    tpu.enqueue_dma source(%dma_start3A_68 : memref<1024xf32, #tpu.memory_space<hbm>>) target(%arg12 : memref<1024xf32, #tpu.memory_space<vmem>>) target_semaphore(%arg15 : memref<!tpu.dma_semaphore, #tpu.memory_space<semaphore_mem>>)
    %scan3A = arith.constant 0 : i32
    %scan3A_69 = arith.constant 16 : i32
    %scan3A_70 = arith.addi %scan3A, %scan3A_69 : i32
    %scan3A_71 = arith.constant 1 : i32
    %scan3A_72:2 = scf.for %scan3A_77 = %scan3A to %scan3A_70 step %scan3A_71 iter_args(%scan3A_78 = %broadcast_in_dim3A_33, %scan3A_79 = %broadcast_in_dim3A_33) -> (vector<16xf32>, vector<16xf32>)  : i32 {
      %mul3A_80 = arith.constant 2 : i32
      %mul3A_81 = arith.muli %scan3A_77, %mul3A_80 : i32
      %dma_wait3A = arith.constant 0 : i32
      %dma_wait3A_82 = tpu.memref_slice %arg2[%select_n3A, %dma_wait3A, %mul3A_32] : memref<16x16x65536xf32, #tpu.memory_space<hbm>> -> memref<1x16x1024xf32, #tpu.memory_space<hbm>>
      %dma_wait3A_83 = tpu.memref_squeeze %dma_wait3A_82 : memref<1x16x1024xf32, #tpu.memory_space<hbm>> -> memref<16x1024xf32, #tpu.memory_space<hbm>>
      %dma_wait3A_84 = arith.constant 0 : i32
      %dma_wait3A_85 = tpu.memref_slice %arg2[%select_n3A, %dma_wait3A_84, %mul3A_32] : memref<16x16x65536xf32, #tpu.memory_space<hbm>> -> memref<1x16x1024xf32, #tpu.memory_space<hbm>>
      %dma_wait3A_86 = tpu.memref_squeeze %dma_wait3A_85 : memref<1x16x1024xf32, #tpu.memory_space<hbm>> -> memref<16x1024xf32, #tpu.memory_space<hbm>>
      tpu.wait_dma2 semaphore(%arg14 : memref<!tpu.dma_semaphore, #tpu.memory_space<semaphore_mem>>) src(%dma_wait3A_86 : memref<16x1024xf32, #tpu.memory_space<hbm>>) dst(%arg7 : memref<16x1024xf32, #tpu.memory_space<vmem>>)
      %dma_wait3A_87 = tpu.memref_slice %arg3[%select_n3A, %mul3A_32] : memref<16x65536xi32, #tpu.memory_space<hbm>> -> memref<1x1024xi32, #tpu.memory_space<hbm>>
      %dma_wait3A_88 = tpu.memref_squeeze %dma_wait3A_87 : memref<1x1024xi32, #tpu.memory_space<hbm>> -> memref<1024xi32, #tpu.memory_space<hbm>>
      %dma_wait3A_89 = tpu.memref_slice %arg3[%select_n3A, %mul3A_32] : memref<16x65536xi32, #tpu.memory_space<hbm>> -> memref<1x1024xi32, #tpu.memory_space<hbm>>
      %dma_wait3A_90 = tpu.memref_squeeze %dma_wait3A_89 : memref<1x1024xi32, #tpu.memory_space<hbm>> -> memref<1024xi32, #tpu.memory_space<hbm>>
      tpu.wait_dma2 semaphore(%arg14 : memref<!tpu.dma_semaphore, #tpu.memory_space<semaphore_mem>>) src(%dma_wait3A_90 : memref<1024xi32, #tpu.memory_space<hbm>>) dst(%arg9 : memref<1024xi32, #tpu.memory_space<vmem>>)
      %dma_wait3A_91 = tpu.memref_slice %arg4[%select_n3A, %mul3A_32] : memref<16x65536xf32, #tpu.memory_space<hbm>> -> memref<1x1024xf32, #tpu.memory_space<hbm>>
      %dma_wait3A_92 = tpu.memref_squeeze %dma_wait3A_91 : memref<1x1024xf32, #tpu.memory_space<hbm>> -> memref<1024xf32, #tpu.memory_space<hbm>>
      %dma_wait3A_93 = tpu.memref_slice %arg4[%select_n3A, %mul3A_32] : memref<16x65536xf32, #tpu.memory_space<hbm>> -> memref<1x1024xf32, #tpu.memory_space<hbm>>
      %dma_wait3A_94 = tpu.memref_squeeze %dma_wait3A_93 : memref<1x1024xf32, #tpu.memory_space<hbm>> -> memref<1024xf32, #tpu.memory_space<hbm>>
      tpu.wait_dma2 semaphore(%arg14 : memref<!tpu.dma_semaphore, #tpu.memory_space<semaphore_mem>>) src(%dma_wait3A_94 : memref<1024xf32, #tpu.memory_space<hbm>>) dst(%arg11 : memref<1024xf32, #tpu.memory_space<vmem>>)
      %parallel_loop3A = arith.constant 0 : i32
      %parallel_loop3A_95 = arith.constant 1024 : i32
      %parallel_loop3A_96 = arith.constant 16 : i32
      %parallel_loop3A_97:2 = scf.for %parallel_loop3A_128 = %parallel_loop3A to %parallel_loop3A_95 step %parallel_loop3A_96 iter_args(%parallel_loop3A_129 = %scan3A_78, %parallel_loop3A_130 = %scan3A_79) -> (vector<16xf32>, vector<16xf32>)  : i32 {
        %parallel_loop3A_131 = arith.constant 0 : i32
        %parallel_loop3A_132 = arith.index_cast %parallel_loop3A_131 : i32 to index
        %parallel_loop3A_133 = arith.index_cast %parallel_loop3A_128 : i32 to index
        %parallel_loop3A_134 = tpu.vector_load %arg7[%parallel_loop3A_132, %parallel_loop3A_133] {strides = array<i32>} : memref<16x1024xf32, #tpu.memory_space<vmem>>, vector<16xf32>,
        %parallel_loop3A_135 = arith.constant 1 : i32
        %parallel_loop3A_136 = arith.index_cast %parallel_loop3A_135 : i32 to index
        %parallel_loop3A_137 = arith.index_cast %parallel_loop3A_128 : i32 to index
        %parallel_loop3A_138 = tpu.vector_load %arg7[%parallel_loop3A_136, %parallel_loop3A_137] {strides = array<i32>} : memref<16x1024xf32, #tpu.memory_space<vmem>>, vector<16xf32>,
        %parallel_loop3A_139 = arith.constant 2 : i32
        %parallel_loop3A_140 = arith.index_cast %parallel_loop3A_139 : i32 to index
        %parallel_loop3A_141 = arith.index_cast %parallel_loop3A_128 : i32 to index
        %parallel_loop3A_142 = tpu.vector_load %arg7[%parallel_loop3A_140, %parallel_loop3A_141] {strides = array<i32>} : memref<16x1024xf32, #tpu.memory_space<vmem>>, vector<16xf32>,
        %parallel_loop3A_143 = arith.constant 3 : i32
        %parallel_loop3A_144 = arith.index_cast %parallel_loop3A_143 : i32 to index
        %parallel_loop3A_145 = arith.index_cast %parallel_loop3A_128 : i32 to index
        %parallel_loop3A_146 = tpu.vector_load %arg7[%parallel_loop3A_144, %parallel_loop3A_145] {strides = array<i32>} : memref<16x1024xf32, #tpu.memory_space<vmem>>, vector<16xf32>,
        %parallel_loop3A_147 = arith.constant 4 : i32
        %parallel_loop3A_148 = arith.index_cast %parallel_loop3A_147 : i32 to index
        %parallel_loop3A_149 = arith.index_cast %parallel_loop3A_128 : i32 to index
        %parallel_loop3A_150 = tpu.vector_load %arg7[%parallel_loop3A_148, %parallel_loop3A_149] {strides = array<i32>} : memref<16x1024xf32, #tpu.memory_space<vmem>>, vector<16xf32>,
        %parallel_loop3A_151 = arith.constant 5 : i32
        %parallel_loop3A_152 = arith.index_cast %parallel_loop3A_151 : i32 to index
        %parallel_loop3A_153 = arith.index_cast %parallel_loop3A_128 : i32 to index
        %parallel_loop3A_154 = tpu.vector_load %arg7[%parallel_loop3A_152, %parallel_loop3A_153] {strides = array<i32>} : memref<16x1024xf32, #tpu.memory_space<vmem>>, vector<16xf32>,
        %parallel_loop3A_155 = arith.constant 6 : i32
        %parallel_loop3A_156 = arith.index_cast %parallel_loop3A_155 : i32 to index
        %parallel_loop3A_157 = arith.index_cast %parallel_loop3A_128 : i32 to index
        %parallel_loop3A_158 = tpu.vector_load %arg7[%parallel_loop3A_156, %parallel_loop3A_157] {strides = array<i32>} : memref<16x1024xf32, #tpu.memory_space<vmem>>, vector<16xf32>,
        %parallel_loop3A_159 = arith.constant 7 : i32
        %parallel_loop3A_160 = arith.index_cast %parallel_loop3A_159 : i32 to index
        %parallel_loop3A_161 = arith.index_cast %parallel_loop3A_128 : i32 to index
        %parallel_loop3A_162 = tpu.vector_load %arg7[%parallel_loop3A_160, %parallel_loop3A_161] {strides = array<i32>} : memref<16x1024xf32, #tpu.memory_space<vmem>>, vector<16xf32>,
        %parallel_loop3A_163 = arith.constant 8 : i32
        %parallel_loop3A_164 = arith.index_cast %parallel_loop3A_163 : i32 to index
        %parallel_loop3A_165 = arith.index_cast %parallel_loop3A_128 : i32 to index
        %parallel_loop3A_166 = tpu.vector_load %arg7[%parallel_loop3A_164, %parallel_loop3A_165] {strides = array<i32>} : memref<16x1024xf32, #tpu.memory_space<vmem>>, vector<16xf32>,
        %parallel_loop3A_167 = arith.constant 9 : i32
        %parallel_loop3A_168 = arith.index_cast %parallel_loop3A_167 : i32 to index
        %parallel_loop3A_169 = arith.index_cast %parallel_loop3A_128 : i32 to index
        %parallel_loop3A_170 = tpu.vector_load %arg7[%parallel_loop3A_168, %parallel_loop3A_169] {strides = array<i32>} : memref<16x1024xf32, #tpu.memory_space<vmem>>, vector<16xf32>,
        %parallel_loop3A_171 = arith.constant 10 : i32
        %parallel_loop3A_172 = arith.index_cast %parallel_loop3A_171 : i32 to index
        %parallel_loop3A_173 = arith.index_cast %parallel_loop3A_128 : i32 to index
        %parallel_loop3A_174 = tpu.vector_load %arg7[%parallel_loop3A_172, %parallel_loop3A_173] {strides = array<i32>} : memref<16x1024xf32, #tpu.memory_space<vmem>>, vector<16xf32>,
        %parallel_loop3A_175 = arith.constant 11 : i32
        %parallel_loop3A_176 = arith.index_cast %parallel_loop3A_175 : i32 to index
        %parallel_loop3A_177 = arith.index_cast %parallel_loop3A_128 : i32 to index
        %parallel_loop3A_178 = tpu.vector_load %arg7[%parallel_loop3A_176, %parallel_loop3A_177] {strides = array<i32>} : memref<16x1024xf32, #tpu.memory_space<vmem>>, vector<16xf32>,
        %parallel_loop3A_179 = arith.constant 12 : i32
        %parallel_loop3A_180 = arith.index_cast %parallel_loop3A_179 : i32 to index
        %parallel_loop3A_181 = arith.index_cast %parallel_loop3A_128 : i32 to index
        %parallel_loop3A_182 = tpu.vector_load %arg7[%parallel_loop3A_180, %parallel_loop3A_181] {strides = array<i32>} : memref<16x1024xf32, #tpu.memory_space<vmem>>, vector<16xf32>,
        %parallel_loop3A_183 = arith.constant 13 : i32
        %parallel_loop3A_184 = arith.index_cast %parallel_loop3A_183 : i32 to index
        %parallel_loop3A_185 = arith.index_cast %parallel_loop3A_128 : i32 to index
        %parallel_loop3A_186 = tpu.vector_load %arg7[%parallel_loop3A_184, %parallel_loop3A_185] {strides = array<i32>} : memref<16x1024xf32, #tpu.memory_space<vmem>>, vector<16xf32>,
        %parallel_loop3A_187 = arith.constant 14 : i32
        %parallel_loop3A_188 = arith.index_cast %parallel_loop3A_187 : i32 to index
        %parallel_loop3A_189 = arith.index_cast %parallel_loop3A_128 : i32 to index
        %parallel_loop3A_190 = tpu.vector_load %arg7[%parallel_loop3A_188, %parallel_loop3A_189] {strides = array<i32>} : memref<16x1024xf32, #tpu.memory_space<vmem>>, vector<16xf32>,
        %parallel_loop3A_191 = arith.constant 15 : i32
        %parallel_loop3A_192 = arith.index_cast %parallel_loop3A_191 : i32 to index
        %parallel_loop3A_193 = arith.index_cast %parallel_loop3A_128 : i32 to index
        %parallel_loop3A_194 = tpu.vector_load %arg7[%parallel_loop3A_192, %parallel_loop3A_193] {strides = array<i32>} : memref<16x1024xf32, #tpu.memory_space<vmem>>, vector<16xf32>,
        %parallel_loop3A_195 = math.exp %parallel_loop3A_134 : vector<16xf32>
        %parallel_loop3A_196 = math.exp %parallel_loop3A_138 : vector<16xf32>
        %parallel_loop3A_197 = math.exp %parallel_loop3A_142 : vector<16xf32>
        %parallel_loop3A_198 = math.exp %parallel_loop3A_146 : vector<16xf32>
        %parallel_loop3A_199 = math.exp %parallel_loop3A_150 : vector<16xf32>
        %parallel_loop3A_200 = math.exp %parallel_loop3A_154 : vector<16xf32>
        %parallel_loop3A_201 = math.exp %parallel_loop3A_158 : vector<16xf32>
        %parallel_loop3A_202 = math.exp %parallel_loop3A_162 : vector<16xf32>
        %parallel_loop3A_203 = math.exp %parallel_loop3A_166 : vector<16xf32>
        %parallel_loop3A_204 = math.exp %parallel_loop3A_170 : vector<16xf32>
        %parallel_loop3A_205 = math.exp %parallel_loop3A_174 : vector<16xf32>
        %parallel_loop3A_206 = math.exp %parallel_loop3A_178 : vector<16xf32>
        %parallel_loop3A_207 = math.exp %parallel_loop3A_182 : vector<16xf32>
        %parallel_loop3A_208 = math.exp %parallel_loop3A_186 : vector<16xf32>
        %parallel_loop3A_209 = math.exp %parallel_loop3A_190 : vector<16xf32>
        %parallel_loop3A_210 = math.exp %parallel_loop3A_194 : vector<16xf32>
        %parallel_loop3A_211 = arith.addf %parallel_loop3A_195, %parallel_loop3A_196 : vector<16xf32>
        %parallel_loop3A_212 = arith.addf %parallel_loop3A_197, %parallel_loop3A_198 : vector<16xf32>
        %parallel_loop3A_213 = arith.addf %parallel_loop3A_199, %parallel_loop3A_200 : vector<16xf32>
        %parallel_loop3A_214 = arith.addf %parallel_loop3A_201, %parallel_loop3A_202 : vector<16xf32>
        %parallel_loop3A_215 = arith.addf %parallel_loop3A_203, %parallel_loop3A_204 : vector<16xf32>
        %parallel_loop3A_216 = arith.addf %parallel_loop3A_205, %parallel_loop3A_206 : vector<16xf32>
        %parallel_loop3A_217 = arith.addf %parallel_loop3A_207, %parallel_loop3A_208 : vector<16xf32>
        %parallel_loop3A_218 = arith.addf %parallel_loop3A_209, %parallel_loop3A_210 : vector<16xf32>
        %parallel_loop3A_219 = arith.addf %parallel_loop3A_211, %parallel_loop3A_212 : vector<16xf32>
        %parallel_loop3A_220 = arith.addf %parallel_loop3A_213, %parallel_loop3A_214 : vector<16xf32>
        %parallel_loop3A_221 = arith.addf %parallel_loop3A_215, %parallel_loop3A_216 : vector<16xf32>
        %parallel_loop3A_222 = arith.addf %parallel_loop3A_217, %parallel_loop3A_218 : vector<16xf32>
        %parallel_loop3A_223 = arith.addf %parallel_loop3A_219, %parallel_loop3A_220 : vector<16xf32>
        %parallel_loop3A_224 = arith.addf %parallel_loop3A_221, %parallel_loop3A_222 : vector<16xf32>
        %parallel_loop3A_225 = arith.addf %parallel_loop3A_223, %parallel_loop3A_224 : vector<16xf32>
        %parallel_loop3A_226 = vector.bitcast %parallel_loop3A_225 : vector<16xf32> to vector<16xi32>
        %parallel_loop3A_227 = arith.constant 23 : i32
        %parallel_loop3A_228 = vector.broadcast %parallel_loop3A_227 : i32 to vector<16xi32>
        %parallel_loop3A_229 = arith.shrsi %parallel_loop3A_226, %parallel_loop3A_228 : vector<16xi32>
        %parallel_loop3A_230 = arith.constant 127 : i32
        %parallel_loop3A_231 = vector.broadcast %parallel_loop3A_230 : i32 to vector<16xi32>
        %parallel_loop3A_232 = arith.subi %parallel_loop3A_229, %parallel_loop3A_231 : vector<16xi32>
        %parallel_loop3A_233 = arith.constant 8388607 : i32
        %parallel_loop3A_234 = vector.broadcast %parallel_loop3A_233 : i32 to vector<16xi32>
        %parallel_loop3A_235 = arith.andi %parallel_loop3A_226, %parallel_loop3A_234 : vector<16xi32>
        %parallel_loop3A_236 = arith.constant 1065353216 : i32
        %parallel_loop3A_237 = vector.broadcast %parallel_loop3A_236 : i32 to vector<16xi32>
        %parallel_loop3A_238 = arith.ori %parallel_loop3A_235, %parallel_loop3A_237 : vector<16xi32>
        %parallel_loop3A_239 = vector.bitcast %parallel_loop3A_238 : vector<16xi32> to vector<16xf32>
        %parallel_loop3A_240 = arith.constant -0.0791516155 : f32
        %parallel_loop3A_241 = vector.broadcast %parallel_loop3A_240 : f32 to vector<16xf32>
        %parallel_loop3A_242 = arith.mulf %parallel_loop3A_241, %parallel_loop3A_239 : vector<16xf32>
        %parallel_loop3A_243 = arith.constant 6.288250e-01 : f32
        %parallel_loop3A_244 = vector.broadcast %parallel_loop3A_243 : f32 to vector<16xf32>
        %parallel_loop3A_245 = arith.addf %parallel_loop3A_242, %parallel_loop3A_244 : vector<16xf32>
        %parallel_loop3A_246 = arith.mulf %parallel_loop3A_245, %parallel_loop3A_239 : vector<16xf32>
        %parallel_loop3A_247 = arith.constant -2.08108497 : f32
        %parallel_loop3A_248 = vector.broadcast %parallel_loop3A_247 : f32 to vector<16xf32>
        %parallel_loop3A_249 = arith.addf %parallel_loop3A_246, %parallel_loop3A_248 : vector<16xf32>
        %parallel_loop3A_250 = arith.mulf %parallel_loop3A_249, %parallel_loop3A_239 : vector<16xf32>
        %parallel_loop3A_251 = arith.constant 4.0284009 : f32
        %parallel_loop3A_252 = vector.broadcast %parallel_loop3A_251 : f32 to vector<16xf32>
        %parallel_loop3A_253 = arith.addf %parallel_loop3A_250, %parallel_loop3A_252 : vector<16xf32>
        %parallel_loop3A_254 = arith.mulf %parallel_loop3A_253, %parallel_loop3A_239 : vector<16xf32>
        %parallel_loop3A_255 = arith.constant -2.4967854 : f32
        %parallel_loop3A_256 = vector.broadcast %parallel_loop3A_255 : f32 to vector<16xf32>
        %parallel_loop3A_257 = arith.addf %parallel_loop3A_254, %parallel_loop3A_256 : vector<16xf32>
        %parallel_loop3A_258 = arith.sitofp %parallel_loop3A_232 : vector<16xi32> to vector<16xf32>
        %parallel_loop3A_259 = arith.addf %parallel_loop3A_258, %parallel_loop3A_257 : vector<16xf32>
        %parallel_loop3A_260 = arith.constant 0.693147182 : f32
        %parallel_loop3A_261 = vector.broadcast %parallel_loop3A_260 : f32 to vector<16xf32>
        %parallel_loop3A_262 = arith.mulf %parallel_loop3A_261, %parallel_loop3A_259 : vector<16xf32>
        %parallel_loop3A_263 = arith.index_cast %parallel_loop3A_128 : i32 to index
        %parallel_loop3A_264 = tpu.vector_load %arg9[%parallel_loop3A_263] {strides = array<i32>} : memref<1024xi32, #tpu.memory_space<vmem>>, vector<16xi32>,
        %parallel_loop3A_265 = vector.broadcast %parallel_loop3A_128 : i32 to vector<16xi32>
        %parallel_loop3A_266 = arith.addi %parallel_loop3A_265, %iota3A : vector<16xi32>
        %parallel_loop3A_267 = tpu.vector_load_idx %arg7[%parallel_loop3A_264, %parallel_loop3A_266] : memref<16x1024xf32, #tpu.memory_space<vmem>>[vector<16xi32>, vector<16xi32>], vector<16xf32>,
        %parallel_loop3A_268 = arith.index_cast %parallel_loop3A_128 : i32 to index
        %parallel_loop3A_269 = tpu.vector_load %arg11[%parallel_loop3A_268] {strides = array<i32>} : memref<1024xf32, #tpu.memory_space<vmem>>, vector<16xf32>,
        %parallel_loop3A_270 = arith.mulf %parallel_loop3A_269, %parallel_loop3A_269 : vector<16xf32>
        %parallel_loop3A_271 = arith.subf %parallel_loop3A_262, %parallel_loop3A_267 : vector<16xf32>
        %parallel_loop3A_272 = arith.mulf %parallel_loop3A_271, %parallel_loop3A_270 : vector<16xf32>
        %parallel_loop3A_273 = arith.addf %parallel_loop3A_129, %parallel_loop3A_272 : vector<16xf32>
        %parallel_loop3A_274 = arith.addf %parallel_loop3A_130, %parallel_loop3A_270 : vector<16xf32>
        scf.yield %parallel_loop3A_273, %parallel_loop3A_274 : vector<16xf32>, vector<16xf32>
      } {sc.loop_unroll_factor = 2 : i64, sc.parallel_access}
      %add3A_98 = arith.constant 2 : i32
      %add3A_99 = arith.addi %mul3A_81, %add3A_98 : i32
      %lt3A_100 = arith.constant 32 : i32
      %lt3A_101 = arith.cmpi slt, %add3A_99, %lt3A_100 : i32
      %convert_element_type3A = arith.extui %lt3A_101 : i1 to i32
      %cond3A = arith.constant 0 : i32
      %cond3A_102 = arith.cmpi ne, %convert_element_type3A, %cond3A : i32
      scf.if %cond3A_102 {
        %add3A_128 = arith.constant 2 : i32
        %add3A_129 = arith.addi %mul3A_81, %add3A_128 : i32
        %mul3A_130 = arith.constant 1024 : i32
        %mul3A_131 = arith.muli %add3A_129, %mul3A_130 : i32
        %add3A_132 = arith.addi %mul3A_32, %mul3A_131 : i32
        %dma_start3A_133 = arith.constant 0 : i32
        %dma_start3A_134 = tpu.memref_slice %arg2[%select_n3A, %dma_start3A_133, %add3A_132] : memref<16x16x65536xf32, #tpu.memory_space<hbm>> -> memref<1x16x1024xf32, #tpu.memory_space<hbm>>
        %dma_start3A_135 = tpu.memref_squeeze %dma_start3A_134 : memref<1x16x1024xf32, #tpu.memory_space<hbm>> -> memref<16x1024xf32, #tpu.memory_space<hbm>>
        %dma_start3A_136 = arith.constant 0 : i32
        %dma_start3A_137 = tpu.memref_slice %arg2[%select_n3A, %dma_start3A_136, %add3A_132] : memref<16x16x65536xf32, #tpu.memory_space<hbm>> -> memref<1x16x1024xf32, #tpu.memory_space<hbm>>
        %dma_start3A_138 = tpu.memref_squeeze %dma_start3A_137 : memref<1x16x1024xf32, #tpu.memory_space<hbm>> -> memref<16x1024xf32, #tpu.memory_space<hbm>>
        tpu.enqueue_dma source(%dma_start3A_138 : memref<16x1024xf32, #tpu.memory_space<hbm>>) target(%arg7 : memref<16x1024xf32, #tpu.memory_space<vmem>>) target_semaphore(%arg14 : memref<!tpu.dma_semaphore, #tpu.memory_space<semaphore_mem>>)
        %dma_start3A_139 = tpu.memref_slice %arg3[%select_n3A, %add3A_132] : memref<16x65536xi32, #tpu.memory_space<hbm>> -> memref<1x1024xi32, #tpu.memory_space<hbm>>
        %dma_start3A_140 = tpu.memref_squeeze %dma_start3A_139 : memref<1x1024xi32, #tpu.memory_space<hbm>> -> memref<1024xi32, #tpu.memory_space<hbm>>
        %dma_start3A_141 = tpu.memref_slice %arg3[%select_n3A, %add3A_132] : memref<16x65536xi32, #tpu.memory_space<hbm>> -> memref<1x1024xi32, #tpu.memory_space<hbm>>
        %dma_start3A_142 = tpu.memref_squeeze %dma_start3A_141 : memref<1x1024xi32, #tpu.memory_space<hbm>> -> memref<1024xi32, #tpu.memory_space<hbm>>
        tpu.enqueue_dma source(%dma_start3A_142 : memref<1024xi32, #tpu.memory_space<hbm>>) target(%arg9 : memref<1024xi32, #tpu.memory_space<vmem>>) target_semaphore(%arg14 : memref<!tpu.dma_semaphore, #tpu.memory_space<semaphore_mem>>)
        %dma_start3A_143 = tpu.memref_slice %arg4[%select_n3A, %add3A_132] : memref<16x65536xf32, #tpu.memory_space<hbm>> -> memref<1x1024xf32, #tpu.memory_space<hbm>>
        %dma_start3A_144 = tpu.memref_squeeze %dma_start3A_143 : memref<1x1024xf32, #tpu.memory_space<hbm>> -> memref<1024xf32, #tpu.memory_space<hbm>>
        %dma_start3A_145 = tpu.memref_slice %arg4[%select_n3A, %add3A_132] : memref<16x65536xf32, #tpu.memory_space<hbm>> -> memref<1x1024xf32, #tpu.memory_space<hbm>>
        %dma_start3A_146 = tpu.memref_squeeze %dma_start3A_145 : memref<1x1024xf32, #tpu.memory_space<hbm>> -> memref<1024xf32, #tpu.memory_space<hbm>>
        tpu.enqueue_dma source(%dma_start3A_146 : memref<1024xf32, #tpu.memory_space<hbm>>) target(%arg11 : memref<1024xf32, #tpu.memory_space<vmem>>) target_semaphore(%arg14 : memref<!tpu.dma_semaphore, #tpu.memory_space<semaphore_mem>>)
      } else {
      }
      %dma_wait3A_103 = arith.constant 0 : i32
      %dma_wait3A_104 = tpu.memref_slice %arg2[%select_n3A, %dma_wait3A_103, %mul3A_32] : memref<16x16x65536xf32, #tpu.memory_space<hbm>> -> memref<1x16x1024xf32, #tpu.memory_space<hbm>>
      %dma_wait3A_105 = tpu.memref_squeeze %dma_wait3A_104 : memref<1x16x1024xf32, #tpu.memory_space<hbm>> -> memref<16x1024xf32, #tpu.memory_space<hbm>>
      %dma_wait3A_106 = arith.constant 0 : i32
      %dma_wait3A_107 = tpu.memref_slice %arg2[%select_n3A, %dma_wait3A_106, %mul3A_32] : memref<16x16x65536xf32, #tpu.memory_space<hbm>> -> memref<1x16x1024xf32, #tpu.memory_space<hbm>>
      %dma_wait3A_108 = tpu.memref_squeeze %dma_wait3A_107 : memref<1x16x1024xf32, #tpu.memory_space<hbm>> -> memref<16x1024xf32, #tpu.memory_space<hbm>>
      tpu.wait_dma2 semaphore(%arg15 : memref<!tpu.dma_semaphore, #tpu.memory_space<semaphore_mem>>) src(%dma_wait3A_108 : memref<16x1024xf32, #tpu.memory_space<hbm>>) dst(%arg8 : memref<16x1024xf32, #tpu.memory_space<vmem>>)
      %dma_wait3A_109 = tpu.memref_slice %arg3[%select_n3A, %mul3A_32] : memref<16x65536xi32, #tpu.memory_space<hbm>> -> memref<1x1024xi32, #tpu.memory_space<hbm>>
      %dma_wait3A_110 = tpu.memref_squeeze %dma_wait3A_109 : memref<1x1024xi32, #tpu.memory_space<hbm>> -> memref<1024xi32, #tpu.memory_space<hbm>>
      %dma_wait3A_111 = tpu.memref_slice %arg3[%select_n3A, %mul3A_32] : memref<16x65536xi32, #tpu.memory_space<hbm>> -> memref<1x1024xi32, #tpu.memory_space<hbm>>
      %dma_wait3A_112 = tpu.memref_squeeze %dma_wait3A_111 : memref<1x1024xi32, #tpu.memory_space<hbm>> -> memref<1024xi32, #tpu.memory_space<hbm>>
      tpu.wait_dma2 semaphore(%arg15 : memref<!tpu.dma_semaphore, #tpu.memory_space<semaphore_mem>>) src(%dma_wait3A_112 : memref<1024xi32, #tpu.memory_space<hbm>>) dst(%arg10 : memref<1024xi32, #tpu.memory_space<vmem>>)
      %dma_wait3A_113 = tpu.memref_slice %arg4[%select_n3A, %mul3A_32] : memref<16x65536xf32, #tpu.memory_space<hbm>> -> memref<1x1024xf32, #tpu.memory_space<hbm>>
      %dma_wait3A_114 = tpu.memref_squeeze %dma_wait3A_113 : memref<1x1024xf32, #tpu.memory_space<hbm>> -> memref<1024xf32, #tpu.memory_space<hbm>>
      %dma_wait3A_115 = tpu.memref_slice %arg4[%select_n3A, %mul3A_32] : memref<16x65536xf32, #tpu.memory_space<hbm>> -> memref<1x1024xf32, #tpu.memory_space<hbm>>
      %dma_wait3A_116 = tpu.memref_squeeze %dma_wait3A_115 : memref<1x1024xf32, #tpu.memory_space<hbm>> -> memref<1024xf32, #tpu.memory_space<hbm>>
      tpu.wait_dma2 semaphore(%arg15 : memref<!tpu.dma_semaphore, #tpu.memory_space<semaphore_mem>>) src(%dma_wait3A_116 : memref<1024xf32, #tpu.memory_space<hbm>>) dst(%arg12 : memref<1024xf32, #tpu.memory_space<vmem>>)
      %parallel_loop3A_117 = arith.constant 0 : i32
      %parallel_loop3A_118 = arith.constant 1024 : i32
      %parallel_loop3A_119 = arith.constant 16 : i32
      %parallel_loop3A_120:2 = scf.for %parallel_loop3A_128 = %parallel_loop3A_117 to %parallel_loop3A_118 step %parallel_loop3A_119 iter_args(%parallel_loop3A_129 = %parallel_loop3A_97#0, %parallel_loop3A_130 = %parallel_loop3A_97#1) -> (vector<16xf32>, vector<16xf32>)  : i32 {
        %parallel_loop3A_131 = arith.constant 0 : i32
        %parallel_loop3A_132 = arith.index_cast %parallel_loop3A_131 : i32 to index
        %parallel_loop3A_133 = arith.index_cast %parallel_loop3A_128 : i32 to index
        %parallel_loop3A_134 = tpu.vector_load %arg8[%parallel_loop3A_132, %parallel_loop3A_133] {strides = array<i32>} : memref<16x1024xf32, #tpu.memory_space<vmem>>, vector<16xf32>,
        %parallel_loop3A_135 = arith.constant 1 : i32
        %parallel_loop3A_136 = arith.index_cast %parallel_loop3A_135 : i32 to index
        %parallel_loop3A_137 = arith.index_cast %parallel_loop3A_128 : i32 to index
        %parallel_loop3A_138 = tpu.vector_load %arg8[%parallel_loop3A_136, %parallel_loop3A_137] {strides = array<i32>} : memref<16x1024xf32, #tpu.memory_space<vmem>>, vector<16xf32>,
        %parallel_loop3A_139 = arith.constant 2 : i32
        %parallel_loop3A_140 = arith.index_cast %parallel_loop3A_139 : i32 to index
        %parallel_loop3A_141 = arith.index_cast %parallel_loop3A_128 : i32 to index
        %parallel_loop3A_142 = tpu.vector_load %arg8[%parallel_loop3A_140, %parallel_loop3A_141] {strides = array<i32>} : memref<16x1024xf32, #tpu.memory_space<vmem>>, vector<16xf32>,
        %parallel_loop3A_143 = arith.constant 3 : i32
        %parallel_loop3A_144 = arith.index_cast %parallel_loop3A_143 : i32 to index
        %parallel_loop3A_145 = arith.index_cast %parallel_loop3A_128 : i32 to index
        %parallel_loop3A_146 = tpu.vector_load %arg8[%parallel_loop3A_144, %parallel_loop3A_145] {strides = array<i32>} : memref<16x1024xf32, #tpu.memory_space<vmem>>, vector<16xf32>,
        %parallel_loop3A_147 = arith.constant 4 : i32
        %parallel_loop3A_148 = arith.index_cast %parallel_loop3A_147 : i32 to index
        %parallel_loop3A_149 = arith.index_cast %parallel_loop3A_128 : i32 to index
        %parallel_loop3A_150 = tpu.vector_load %arg8[%parallel_loop3A_148, %parallel_loop3A_149] {strides = array<i32>} : memref<16x1024xf32, #tpu.memory_space<vmem>>, vector<16xf32>,
        %parallel_loop3A_151 = arith.constant 5 : i32
        %parallel_loop3A_152 = arith.index_cast %parallel_loop3A_151 : i32 to index
        %parallel_loop3A_153 = arith.index_cast %parallel_loop3A_128 : i32 to index
        %parallel_loop3A_154 = tpu.vector_load %arg8[%parallel_loop3A_152, %parallel_loop3A_153] {strides = array<i32>} : memref<16x1024xf32, #tpu.memory_space<vmem>>, vector<16xf32>,
        %parallel_loop3A_155 = arith.constant 6 : i32
        %parallel_loop3A_156 = arith.index_cast %parallel_loop3A_155 : i32 to index
        %parallel_loop3A_157 = arith.index_cast %parallel_loop3A_128 : i32 to index
        %parallel_loop3A_158 = tpu.vector_load %arg8[%parallel_loop3A_156, %parallel_loop3A_157] {strides = array<i32>} : memref<16x1024xf32, #tpu.memory_space<vmem>>, vector<16xf32>,
        %parallel_loop3A_159 = arith.constant 7 : i32
        %parallel_loop3A_160 = arith.index_cast %parallel_loop3A_159 : i32 to index
        %parallel_loop3A_161 = arith.index_cast %parallel_loop3A_128 : i32 to index
        %parallel_loop3A_162 = tpu.vector_load %arg8[%parallel_loop3A_160, %parallel_loop3A_161] {strides = array<i32>} : memref<16x1024xf32, #tpu.memory_space<vmem>>, vector<16xf32>,
        %parallel_loop3A_163 = arith.constant 8 : i32
        %parallel_loop3A_164 = arith.index_cast %parallel_loop3A_163 : i32 to index
        %parallel_loop3A_165 = arith.index_cast %parallel_loop3A_128 : i32 to index
        %parallel_loop3A_166 = tpu.vector_load %arg8[%parallel_loop3A_164, %parallel_loop3A_165] {strides = array<i32>} : memref<16x1024xf32, #tpu.memory_space<vmem>>, vector<16xf32>,
        %parallel_loop3A_167 = arith.constant 9 : i32
        %parallel_loop3A_168 = arith.index_cast %parallel_loop3A_167 : i32 to index
        %parallel_loop3A_169 = arith.index_cast %parallel_loop3A_128 : i32 to index
        %parallel_loop3A_170 = tpu.vector_load %arg8[%parallel_loop3A_168, %parallel_loop3A_169] {strides = array<i32>} : memref<16x1024xf32, #tpu.memory_space<vmem>>, vector<16xf32>,
        %parallel_loop3A_171 = arith.constant 10 : i32
        %parallel_loop3A_172 = arith.index_cast %parallel_loop3A_171 : i32 to index
        %parallel_loop3A_173 = arith.index_cast %parallel_loop3A_128 : i32 to index
        %parallel_loop3A_174 = tpu.vector_load %arg8[%parallel_loop3A_172, %parallel_loop3A_173] {strides = array<i32>} : memref<16x1024xf32, #tpu.memory_space<vmem>>, vector<16xf32>,
        %parallel_loop3A_175 = arith.constant 11 : i32
        %parallel_loop3A_176 = arith.index_cast %parallel_loop3A_175 : i32 to index
        %parallel_loop3A_177 = arith.index_cast %parallel_loop3A_128 : i32 to index
        %parallel_loop3A_178 = tpu.vector_load %arg8[%parallel_loop3A_176, %parallel_loop3A_177] {strides = array<i32>} : memref<16x1024xf32, #tpu.memory_space<vmem>>, vector<16xf32>,
        %parallel_loop3A_179 = arith.constant 12 : i32
        %parallel_loop3A_180 = arith.index_cast %parallel_loop3A_179 : i32 to index
        %parallel_loop3A_181 = arith.index_cast %parallel_loop3A_128 : i32 to index
        %parallel_loop3A_182 = tpu.vector_load %arg8[%parallel_loop3A_180, %parallel_loop3A_181] {strides = array<i32>} : memref<16x1024xf32, #tpu.memory_space<vmem>>, vector<16xf32>,
        %parallel_loop3A_183 = arith.constant 13 : i32
        %parallel_loop3A_184 = arith.index_cast %parallel_loop3A_183 : i32 to index
        %parallel_loop3A_185 = arith.index_cast %parallel_loop3A_128 : i32 to index
        %parallel_loop3A_186 = tpu.vector_load %arg8[%parallel_loop3A_184, %parallel_loop3A_185] {strides = array<i32>} : memref<16x1024xf32, #tpu.memory_space<vmem>>, vector<16xf32>,
        %parallel_loop3A_187 = arith.constant 14 : i32
        %parallel_loop3A_188 = arith.index_cast %parallel_loop3A_187 : i32 to index
        %parallel_loop3A_189 = arith.index_cast %parallel_loop3A_128 : i32 to index
        %parallel_loop3A_190 = tpu.vector_load %arg8[%parallel_loop3A_188, %parallel_loop3A_189] {strides = array<i32>} : memref<16x1024xf32, #tpu.memory_space<vmem>>, vector<16xf32>,
        %parallel_loop3A_191 = arith.constant 15 : i32
        %parallel_loop3A_192 = arith.index_cast %parallel_loop3A_191 : i32 to index
        %parallel_loop3A_193 = arith.index_cast %parallel_loop3A_128 : i32 to index
        %parallel_loop3A_194 = tpu.vector_load %arg8[%parallel_loop3A_192, %parallel_loop3A_193] {strides = array<i32>} : memref<16x1024xf32, #tpu.memory_space<vmem>>, vector<16xf32>,
        %parallel_loop3A_195 = math.exp %parallel_loop3A_134 : vector<16xf32>
        %parallel_loop3A_196 = math.exp %parallel_loop3A_138 : vector<16xf32>
        %parallel_loop3A_197 = math.exp %parallel_loop3A_142 : vector<16xf32>
        %parallel_loop3A_198 = math.exp %parallel_loop3A_146 : vector<16xf32>
        %parallel_loop3A_199 = math.exp %parallel_loop3A_150 : vector<16xf32>
        %parallel_loop3A_200 = math.exp %parallel_loop3A_154 : vector<16xf32>
        %parallel_loop3A_201 = math.exp %parallel_loop3A_158 : vector<16xf32>
        %parallel_loop3A_202 = math.exp %parallel_loop3A_162 : vector<16xf32>
        %parallel_loop3A_203 = math.exp %parallel_loop3A_166 : vector<16xf32>
        %parallel_loop3A_204 = math.exp %parallel_loop3A_170 : vector<16xf32>
        %parallel_loop3A_205 = math.exp %parallel_loop3A_174 : vector<16xf32>
        %parallel_loop3A_206 = math.exp %parallel_loop3A_178 : vector<16xf32>
        %parallel_loop3A_207 = math.exp %parallel_loop3A_182 : vector<16xf32>
        %parallel_loop3A_208 = math.exp %parallel_loop3A_186 : vector<16xf32>
        %parallel_loop3A_209 = math.exp %parallel_loop3A_190 : vector<16xf32>
        %parallel_loop3A_210 = math.exp %parallel_loop3A_194 : vector<16xf32>
        %parallel_loop3A_211 = arith.addf %parallel_loop3A_195, %parallel_loop3A_196 : vector<16xf32>
        %parallel_loop3A_212 = arith.addf %parallel_loop3A_197, %parallel_loop3A_198 : vector<16xf32>
        %parallel_loop3A_213 = arith.addf %parallel_loop3A_199, %parallel_loop3A_200 : vector<16xf32>
        %parallel_loop3A_214 = arith.addf %parallel_loop3A_201, %parallel_loop3A_202 : vector<16xf32>
        %parallel_loop3A_215 = arith.addf %parallel_loop3A_203, %parallel_loop3A_204 : vector<16xf32>
        %parallel_loop3A_216 = arith.addf %parallel_loop3A_205, %parallel_loop3A_206 : vector<16xf32>
        %parallel_loop3A_217 = arith.addf %parallel_loop3A_207, %parallel_loop3A_208 : vector<16xf32>
        %parallel_loop3A_218 = arith.addf %parallel_loop3A_209, %parallel_loop3A_210 : vector<16xf32>
        %parallel_loop3A_219 = arith.addf %parallel_loop3A_211, %parallel_loop3A_212 : vector<16xf32>
        %parallel_loop3A_220 = arith.addf %parallel_loop3A_213, %parallel_loop3A_214 : vector<16xf32>
        %parallel_loop3A_221 = arith.addf %parallel_loop3A_215, %parallel_loop3A_216 : vector<16xf32>
        %parallel_loop3A_222 = arith.addf %parallel_loop3A_217, %parallel_loop3A_218 : vector<16xf32>
        %parallel_loop3A_223 = arith.addf %parallel_loop3A_219, %parallel_loop3A_220 : vector<16xf32>
        %parallel_loop3A_224 = arith.addf %parallel_loop3A_221, %parallel_loop3A_222 : vector<16xf32>
        %parallel_loop3A_225 = arith.addf %parallel_loop3A_223, %parallel_loop3A_224 : vector<16xf32>
        %parallel_loop3A_226 = vector.bitcast %parallel_loop3A_225 : vector<16xf32> to vector<16xi32>
        %parallel_loop3A_227 = arith.constant 23 : i32
        %parallel_loop3A_228 = vector.broadcast %parallel_loop3A_227 : i32 to vector<16xi32>
        %parallel_loop3A_229 = arith.shrsi %parallel_loop3A_226, %parallel_loop3A_228 : vector<16xi32>
        %parallel_loop3A_230 = arith.constant 127 : i32
        %parallel_loop3A_231 = vector.broadcast %parallel_loop3A_230 : i32 to vector<16xi32>
        %parallel_loop3A_232 = arith.subi %parallel_loop3A_229, %parallel_loop3A_231 : vector<16xi32>
        %parallel_loop3A_233 = arith.constant 8388607 : i32
        %parallel_loop3A_234 = vector.broadcast %parallel_loop3A_233 : i32 to vector<16xi32>
        %parallel_loop3A_235 = arith.andi %parallel_loop3A_226, %parallel_loop3A_234 : vector<16xi32>
        %parallel_loop3A_236 = arith.constant 1065353216 : i32
        %parallel_loop3A_237 = vector.broadcast %parallel_loop3A_236 : i32 to vector<16xi32>
        %parallel_loop3A_238 = arith.ori %parallel_loop3A_235, %parallel_loop3A_237 : vector<16xi32>
        %parallel_loop3A_239 = vector.bitcast %parallel_loop3A_238 : vector<16xi32> to vector<16xf32>
        %parallel_loop3A_240 = arith.constant -0.0791516155 : f32
        %parallel_loop3A_241 = vector.broadcast %parallel_loop3A_240 : f32 to vector<16xf32>
        %parallel_loop3A_242 = arith.mulf %parallel_loop3A_241, %parallel_loop3A_239 : vector<16xf32>
        %parallel_loop3A_243 = arith.constant 6.288250e-01 : f32
        %parallel_loop3A_244 = vector.broadcast %parallel_loop3A_243 : f32 to vector<16xf32>
        %parallel_loop3A_245 = arith.addf %parallel_loop3A_242, %parallel_loop3A_244 : vector<16xf32>
        %parallel_loop3A_246 = arith.mulf %parallel_loop3A_245, %parallel_loop3A_239 : vector<16xf32>
        %parallel_loop3A_247 = arith.constant -2.08108497 : f32
        %parallel_loop3A_248 = vector.broadcast %parallel_loop3A_247 : f32 to vector<16xf32>
        %parallel_loop3A_249 = arith.addf %parallel_loop3A_246, %parallel_loop3A_248 : vector<16xf32>
        %parallel_loop3A_250 = arith.mulf %parallel_loop3A_249, %parallel_loop3A_239 : vector<16xf32>
        %parallel_loop3A_251 = arith.constant 4.0284009 : f32
        %parallel_loop3A_252 = vector.broadcast %parallel_loop3A_251 : f32 to vector<16xf32>
        %parallel_loop3A_253 = arith.addf %parallel_loop3A_250, %parallel_loop3A_252 : vector<16xf32>
        %parallel_loop3A_254 = arith.mulf %parallel_loop3A_253, %parallel_loop3A_239 : vector<16xf32>
        %parallel_loop3A_255 = arith.constant -2.4967854 : f32
        %parallel_loop3A_256 = vector.broadcast %parallel_loop3A_255 : f32 to vector<16xf32>
        %parallel_loop3A_257 = arith.addf %parallel_loop3A_254, %parallel_loop3A_256 : vector<16xf32>
        %parallel_loop3A_258 = arith.sitofp %parallel_loop3A_232 : vector<16xi32> to vector<16xf32>
        %parallel_loop3A_259 = arith.addf %parallel_loop3A_258, %parallel_loop3A_257 : vector<16xf32>
        %parallel_loop3A_260 = arith.constant 0.693147182 : f32
        %parallel_loop3A_261 = vector.broadcast %parallel_loop3A_260 : f32 to vector<16xf32>
        %parallel_loop3A_262 = arith.mulf %parallel_loop3A_261, %parallel_loop3A_259 : vector<16xf32>
        %parallel_loop3A_263 = arith.index_cast %parallel_loop3A_128 : i32 to index
        %parallel_loop3A_264 = tpu.vector_load %arg10[%parallel_loop3A_263] {strides = array<i32>} : memref<1024xi32, #tpu.memory_space<vmem>>, vector<16xi32>,
        %parallel_loop3A_265 = vector.broadcast %parallel_loop3A_128 : i32 to vector<16xi32>
        %parallel_loop3A_266 = arith.addi %parallel_loop3A_265, %iota3A : vector<16xi32>
        %parallel_loop3A_267 = tpu.vector_load_idx %arg8[%parallel_loop3A_264, %parallel_loop3A_266] : memref<16x1024xf32, #tpu.memory_space<vmem>>[vector<16xi32>, vector<16xi32>], vector<16xf32>,
        %parallel_loop3A_268 = arith.index_cast %parallel_loop3A_128 : i32 to index
        %parallel_loop3A_269 = tpu.vector_load %arg12[%parallel_loop3A_268] {strides = array<i32>} : memref<1024xf32, #tpu.memory_space<vmem>>, vector<16xf32>,
        %parallel_loop3A_270 = arith.mulf %parallel_loop3A_269, %parallel_loop3A_269 : vector<16xf32>
        %parallel_loop3A_271 = arith.subf %parallel_loop3A_262, %parallel_loop3A_267 : vector<16xf32>
        %parallel_loop3A_272 = arith.mulf %parallel_loop3A_271, %parallel_loop3A_270 : vector<16xf32>
        %parallel_loop3A_273 = arith.addf %parallel_loop3A_129, %parallel_loop3A_272 : vector<16xf32>
        %parallel_loop3A_274 = arith.addf %parallel_loop3A_130, %parallel_loop3A_270 : vector<16xf32>
        scf.yield %parallel_loop3A_273, %parallel_loop3A_274 : vector<16xf32>, vector<16xf32>
      } {sc.loop_unroll_factor = 2 : i64, sc.parallel_access}
      %add3A_121 = arith.constant 3 : i32
      %add3A_122 = arith.addi %mul3A_81, %add3A_121 : i32
      %lt3A_123 = arith.constant 32 : i32
      %lt3A_124 = arith.cmpi slt, %add3A_122, %lt3A_123 : i32
      %convert_element_type3A_125 = arith.extui %lt3A_124 : i1 to i32
      %cond3A_126 = arith.constant 0 : i32
      %cond3A_127 = arith.cmpi ne, %convert_element_type3A_125, %cond3A_126 : i32
      scf.if %cond3A_127 {
        %add3A_128 = arith.constant 3 : i32
        %add3A_129 = arith.addi %mul3A_81, %add3A_128 : i32
        %mul3A_130 = arith.constant 1024 : i32
        %mul3A_131 = arith.muli %add3A_129, %mul3A_130 : i32
        %add3A_132 = arith.addi %mul3A_32, %mul3A_131 : i32
        %dma_start3A_133 = arith.constant 0 : i32
        %dma_start3A_134 = tpu.memref_slice %arg2[%select_n3A, %dma_start3A_133, %add3A_132] : memref<16x16x65536xf32, #tpu.memory_space<hbm>> -> memref<1x16x1024xf32, #tpu.memory_space<hbm>>
        %dma_start3A_135 = tpu.memref_squeeze %dma_start3A_134 : memref<1x16x1024xf32, #tpu.memory_space<hbm>> -> memref<16x1024xf32, #tpu.memory_space<hbm>>
        %dma_start3A_136 = arith.constant 0 : i32
        %dma_start3A_137 = tpu.memref_slice %arg2[%select_n3A, %dma_start3A_136, %add3A_132] : memref<16x16x65536xf32, #tpu.memory_space<hbm>> -> memref<1x16x1024xf32, #tpu.memory_space<hbm>>
        %dma_start3A_138 = tpu.memref_squeeze %dma_start3A_137 : memref<1x16x1024xf32, #tpu.memory_space<hbm>> -> memref<16x1024xf32, #tpu.memory_space<hbm>>
        tpu.enqueue_dma source(%dma_start3A_138 : memref<16x1024xf32, #tpu.memory_space<hbm>>) target(%arg8 : memref<16x1024xf32, #tpu.memory_space<vmem>>) target_semaphore(%arg15 : memref<!tpu.dma_semaphore, #tpu.memory_space<semaphore_mem>>)
        %dma_start3A_139 = tpu.memref_slice %arg3[%select_n3A, %add3A_132] : memref<16x65536xi32, #tpu.memory_space<hbm>> -> memref<1x1024xi32, #tpu.memory_space<hbm>>
        %dma_start3A_140 = tpu.memref_squeeze %dma_start3A_139 : memref<1x1024xi32, #tpu.memory_space<hbm>> -> memref<1024xi32, #tpu.memory_space<hbm>>
        %dma_start3A_141 = tpu.memref_slice %arg3[%select_n3A, %add3A_132] : memref<16x65536xi32, #tpu.memory_space<hbm>> -> memref<1x1024xi32, #tpu.memory_space<hbm>>
        %dma_start3A_142 = tpu.memref_squeeze %dma_start3A_141 : memref<1x1024xi32, #tpu.memory_space<hbm>> -> memref<1024xi32, #tpu.memory_space<hbm>>
        tpu.enqueue_dma source(%dma_start3A_142 : memref<1024xi32, #tpu.memory_space<hbm>>) target(%arg10 : memref<1024xi32, #tpu.memory_space<vmem>>) target_semaphore(%arg15 : memref<!tpu.dma_semaphore, #tpu.memory_space<semaphore_mem>>)
        %dma_start3A_143 = tpu.memref_slice %arg4[%select_n3A, %add3A_132] : memref<16x65536xf32, #tpu.memory_space<hbm>> -> memref<1x1024xf32, #tpu.memory_space<hbm>>
        %dma_start3A_144 = tpu.memref_squeeze %dma_start3A_143 : memref<1x1024xf32, #tpu.memory_space<hbm>> -> memref<1024xf32, #tpu.memory_space<hbm>>
        %dma_start3A_145 = tpu.memref_slice %arg4[%select_n3A, %add3A_132] : memref<16x65536xf32, #tpu.memory_space<hbm>> -> memref<1x1024xf32, #tpu.memory_space<hbm>>
        %dma_start3A_146 = tpu.memref_squeeze %dma_start3A_145 : memref<1x1024xf32, #tpu.memory_space<hbm>> -> memref<1024xf32, #tpu.memory_space<hbm>>
        tpu.enqueue_dma source(%dma_start3A_146 : memref<1024xf32, #tpu.memory_space<hbm>>) target(%arg12 : memref<1024xf32, #tpu.memory_space<vmem>>) target_semaphore(%arg15 : memref<!tpu.dma_semaphore, #tpu.memory_space<semaphore_mem>>)
      } else {
      }
      scf.yield %parallel_loop3A_120#0, %parallel_loop3A_120#1 : vector<16xf32>, vector<16xf32>
    }
    %scan3A_73 = arith.constant 16 : i32
    %swap3A = arith.constant 0 : index
    %swap3A_74 = tpu.vector_load %arg13[%swap3A] {strides = array<i32>} : memref<16xf32, #tpu.memory_space<vmem>>, vector<16xf32>,
    tpu.vector_store %arg13[%swap3A], %scan3A_72#0 {strides = array<i32>} : memref<16xf32, #tpu.memory_space<vmem>>, vector<16xf32>,
    "tpu.region"() ({
      %run_scoped3A = tpu.sem_alloc : memref<!tpu.dma_semaphore, #tpu.memory_space<semaphore_mem>>
      %dma_start3A_77 = arith.constant 0 : i32
      %dma_start3A_78 = tpu.memref_slice %arg5[%add3A, %dma_start3A_77] : memref<32x16xf32, #tpu.memory_space<hbm>> -> memref<1x16xf32, #tpu.memory_space<hbm>>
      %dma_start3A_79 = tpu.memref_squeeze %dma_start3A_78 : memref<1x16xf32, #tpu.memory_space<hbm>> -> memref<16xf32, #tpu.memory_space<hbm>>
      %dma_start3A_80 = arith.constant 0 : i32
      %dma_start3A_81 = tpu.memref_slice %arg5[%add3A, %dma_start3A_80] : memref<32x16xf32, #tpu.memory_space<hbm>> -> memref<1x16xf32, #tpu.memory_space<hbm>>
      %dma_start3A_82 = tpu.memref_squeeze %dma_start3A_81 : memref<1x16xf32, #tpu.memory_space<hbm>> -> memref<16xf32, #tpu.memory_space<hbm>>
      tpu.enqueue_dma source(%arg13 : memref<16xf32, #tpu.memory_space<vmem>>) target(%dma_start3A_82 : memref<16xf32, #tpu.memory_space<hbm>>) target_semaphore(%run_scoped3A : memref<!tpu.dma_semaphore, #tpu.memory_space<semaphore_mem>>)
      %dma_wait3A = arith.constant 0 : i32
      %dma_wait3A_83 = tpu.memref_slice %arg5[%add3A, %dma_wait3A] : memref<32x16xf32, #tpu.memory_space<hbm>> -> memref<1x16xf32, #tpu.memory_space<hbm>>
      %dma_wait3A_84 = tpu.memref_squeeze %dma_wait3A_83 : memref<1x16xf32, #tpu.memory_space<hbm>> -> memref<16xf32, #tpu.memory_space<hbm>>
      %dma_wait3A_85 = arith.constant 0 : i32
      %dma_wait3A_86 = tpu.memref_slice %arg5[%add3A, %dma_wait3A_85] : memref<32x16xf32, #tpu.memory_space<hbm>> -> memref<1x16xf32, #tpu.memory_space<hbm>>
      %dma_wait3A_87 = tpu.memref_squeeze %dma_wait3A_86 : memref<1x16xf32, #tpu.memory_space<hbm>> -> memref<16xf32, #tpu.memory_space<hbm>>
      tpu.wait_dma2 semaphore(%run_scoped3A : memref<!tpu.dma_semaphore, #tpu.memory_space<semaphore_mem>>) src(%arg13 : memref<16xf32, #tpu.memory_space<vmem>>) dst(%dma_wait3A_87 : memref<16xf32, #tpu.memory_space<hbm>>)
      tpu.yield
    }) : () -> ()
    %swap3A_75 = arith.constant 0 : index
    %swap3A_76 = tpu.vector_load %arg13[%swap3A_75] {strides = array<i32>} : memref<16xf32, #tpu.memory_space<vmem>>, vector<16xf32>,
    tpu.vector_store %arg13[%swap3A_75], %scan3A_72#1 {strides = array<i32>} : memref<16xf32, #tpu.memory_space<vmem>>, vector<16xf32>,
    "tpu.region"() ({
      %run_scoped3A = tpu.sem_alloc : memref<!tpu.dma_semaphore, #tpu.memory_space<semaphore_mem>>
      %dma_start3A_77 = arith.constant 0 : i32
      %dma_start3A_78 = tpu.memref_slice %arg6[%add3A, %dma_start3A_77] : memref<32x16xf32, #tpu.memory_space<hbm>> -> memref<1x16xf32, #tpu.memory_space<hbm>>
      %dma_start3A_79 = tpu.memref_squeeze %dma_start3A_78 : memref<1x16xf32, #tpu.memory_space<hbm>> -> memref<16xf32, #tpu.memory_space<hbm>>
      %dma_start3A_80 = arith.constant 0 : i32
      %dma_start3A_81 = tpu.memref_slice %arg6[%add3A, %dma_start3A_80] : memref<32x16xf32, #tpu.memory_space<hbm>> -> memref<1x16xf32, #tpu.memory_space<hbm>>
      %dma_start3A_82 = tpu.memref_squeeze %dma_start3A_81 : memref<1x16xf32, #tpu.memory_space<hbm>> -> memref<16xf32, #tpu.memory_space<hbm>>
      tpu.enqueue_dma source(%arg13 : memref<16xf32, #tpu.memory_space<vmem>>) target(%dma_start3A_82 : memref<16xf32, #tpu.memory_space<hbm>>) target_semaphore(%run_scoped3A : memref<!tpu.dma_semaphore, #tpu.memory_space<semaphore_mem>>)
      %dma_wait3A = arith.constant 0 : i32
      %dma_wait3A_83 = tpu.memref_slice %arg6[%add3A, %dma_wait3A] : memref<32x16xf32, #tpu.memory_space<hbm>> -> memref<1x16xf32, #tpu.memory_space<hbm>>
      %dma_wait3A_84 = tpu.memref_squeeze %dma_wait3A_83 : memref<1x16xf32, #tpu.memory_space<hbm>> -> memref<16xf32, #tpu.memory_space<hbm>>
      %dma_wait3A_85 = arith.constant 0 : i32
      %dma_wait3A_86 = tpu.memref_slice %arg6[%add3A, %dma_wait3A_85] : memref<32x16xf32, #tpu.memory_space<hbm>> -> memref<1x16xf32, #tpu.memory_space<hbm>>
      %dma_wait3A_87 = tpu.memref_squeeze %dma_wait3A_86 : memref<1x16xf32, #tpu.memory_space<hbm>> -> memref<16xf32, #tpu.memory_space<hbm>>
      tpu.wait_dma2 semaphore(%run_scoped3A : memref<!tpu.dma_semaphore, #tpu.memory_space<semaphore_mem>>) src(%arg13 : memref<16xf32, #tpu.memory_space<vmem>>) dst(%dma_wait3A_87 : memref<16xf32, #tpu.memory_space<hbm>>)
      tpu.yield
    }) : () -> ()
    return
  }
}

module attributes {stable_mosaic.version = 14 : i64} {
  func.func @_finish_body(%arg0: memref<32x16xf32, #tpu.memory_space<vmem>>, %arg1: memref<32x16xf32, #tpu.memory_space<vmem>>, %arg2: memref<1x1xf32, #tpu.memory_space<smem>>) attributes {dimension_semantics = [], scalar_prefetch = 0 : i64, scratch_operands = 0 : i64, tpu.core_type = #tpu.core_type<tc>} {
    %get3A = arith.constant 0 : index
    %get3A_0 = arith.constant 0 : index
    %get3A_1 = vector.load %arg0[%get3A, %get3A_0] : memref<32x16xf32, #tpu.memory_space<vmem>>, vector<32x16xf32>
    %reduce_sum3A = vector.shape_cast %get3A_1 : vector<32x16xf32> to vector<1x32x16xf32>
    %reduce_sum3A_2 = arith.constant dense<0.000000e+00> : vector<1xf32>
    %reduce_sum3A_3 = vector.multi_reduction <add>, %reduce_sum3A, %reduce_sum3A_2 [1, 2] : vector<1x32x16xf32> to vector<1xf32>
    %reduce_sum3A_4 = vector.shape_cast %reduce_sum3A_3 : vector<1xf32> to vector<1x1x1xf32>
    %reduce_sum3A_5 = vector.extract %reduce_sum3A_4[0, 0, 0] : f32 from vector<1x1x1xf32>
    %get3A_6 = arith.constant 0 : index
    %get3A_7 = arith.constant 0 : index
    %get3A_8 = vector.load %arg1[%get3A_6, %get3A_7] : memref<32x16xf32, #tpu.memory_space<vmem>>, vector<32x16xf32>
    %reduce_sum3A_9 = vector.shape_cast %get3A_8 : vector<32x16xf32> to vector<1x32x16xf32>
    %reduce_sum3A_10 = arith.constant dense<0.000000e+00> : vector<1xf32>
    %reduce_sum3A_11 = vector.multi_reduction <add>, %reduce_sum3A_9, %reduce_sum3A_10 [1, 2] : vector<1x32x16xf32> to vector<1xf32>
    %reduce_sum3A_12 = vector.shape_cast %reduce_sum3A_11 : vector<1xf32> to vector<1x1x1xf32>
    %reduce_sum3A_13 = vector.extract %reduce_sum3A_12[0, 0, 0] : f32 from vector<1x1x1xf32>
    %max3A = arith.constant 1.000000e+00 : f32
    %max3A_14 = arith.maximumf %reduce_sum3A_13, %max3A : f32
    %div3A = arith.divf %reduce_sum3A_5, %max3A_14 : f32
    %swap3A = arith.constant 0 : index
    %swap3A_15 = arith.constant 0 : index
    %swap3A_16 = memref.load %arg2[%swap3A, %swap3A_15] : memref<1x1xf32, #tpu.memory_space<smem>>
    memref.store %div3A, %arg2[%swap3A, %swap3A_15] : memref<1x1xf32, #tpu.memory_space<smem>>
    return
  }
}

</mosaic_0001>

<sc_bundles>
// kernel: kernel.4.cloned.1.call-start
scs
__scs_entry_jumppad:
0x0: {  	(pc) =	sbr.rel $0x88, $3  }
0x1: {  	(tag) =	ssettag $0x0;
	lr =	simm.s32 $0x1  }
0x2: {  	[smem:$0x3F9E] =	sst lr;
	_ =	strace $0xD0000000  }
0x3: {  	_ = 	snop  }
0x4: {  	_ = 	snop  }
0x5: {  	_ = 	snop  }
0x6: {  	_ = 	snop  }
0x7: {  	_ = 	snop  }
__scs_overlays_trampoline_lowered:
0x8: {  	[smem:$0x3FAD] =	sst s0  }
0x9: {  	[smem:$0x3FAE] =	sst s1  }
0xa: {  	[smem:$0x3FAF] =	sst s2  }
0xb: {  	[smem:$0x3FB0] =	sst s3  }
0xc: {  	[smem:$0x3FB1] =	sst s4  }
0xd: {  	[smem:$0x3FB2] =	sst s5  }
0xe: {  	[smem:$0x3FB3] =	sst s6  }
0xf: {  	[smem:$0x3FB4] =	sst s7  }
0x10: {  	[smem:$0x3FB5] =	sst s8  }
0x11: {  	[smem:$0x3FB6] =	sst s9;
	s0 =	simm.s32 @!p0 $0x0  }
0x12: {  	s1 =	sld [smem:$0x3F9C];
	s0 =	simm.s32 @p0 $0x1  }
0x13: {  	[smem:$0x3FB7] =	sst s0;
	s0 =	simm.s32 @!p1 $0x0  }
0x14: {  	s2 =	sld [smem:$0x3F9B];
	s0 =	simm.s32 @p1 $0x1  }
0x15: {  	[smem:$0x3FB8] =	sst s0;
	s0 =	simm.s32 @!p2 $0x0  }
0x16: {  	s3 =	sld [smem:$0x3FDB];
	s0 =	simm.s32 @p2 $0x1  }
0x17: {  	s4 =	simm.s32 $0x1BF5;
	[smem:$0x3FBA] =	sst s0  }
0x18: {  	s0 =	sld [smem:$0x3F9D];
	_ =	swait.ge [sflag:s4], $0x0  }
0x19: {  	s7 =	sld [smem:$0x3F9E]  }
0x1a: {  	s8 =	sadd.s32 $0xFFFFE003, lr  }
0x1b: {  	s9 =	sadd.s32 $0xFFFFFEF7, lr;
	s5 =	simm.s32 $0xFFFFFFFF;
	p2 =	slt.u32 s8, $0xFFFFF086  }
0x1c: {  	p1 =	slt.u32 s9, $0xF7A;
	s5 =	simm.s32 @!p2 $0x0  }
0x1d: {  	s5 =	simm.s32 @p1 $0x1;
	p0 =	seq.s32 s7, s2  }
0x1e: {  	s7 =	smul.u32 @!p0 $0xF7A, s2;
	p2 =	seq.s32 @!p0 s5, $0x0  }
0x1f: {  	s9 =	smul.u32 $0xF7A, s1;
	s8 =	simm.s32 @!p0 $0x1BF5;
	p2 =	por !p2, p0  }
0x20: {  	[sflag:s8] =	ssyncset.s32 @!p0 $0xFFFFF086;
	s6 =	sadd.s32 @!p0 s3, s7;
	s7 =	simm.s32 @!p0 $0x108  }
0x21: {  	s3 =	sadd.s32 s3, s9;
	s6 =	sadd.s32 @!p0 $0x88, s6;
	s7 =	simm.s32 @p2 $0x1082  }
0x22: {  	[simem:s7], [sflag:s8] =	dma.local @!p0 [hbm:s6], $0xF7A  }
0x23: {  	s9 =	sor.u32 $0xD0000000, s2;
	s6 =	simm.s32 $0x108;
	_ =	swait.ge @!p0 [sflag:s8], $0x0  }
0x24: {  	s3 =	sadd.s32 $0x88, s3;
	s6 =	simm.s32 @!p1 $0x1082;
	[sflag:s4] =	ssyncset.s32 $0xFFFFF086  }
0x25: {  	[simem:s6], [sflag:s4] =	dma.local [hbm:s3], $0xF7A  }
0x26: {  	[smem:$0x3F9E] =	sst s1;
	(tag) =	ssettag s2;
	_ =	strace s9  }
0x27: {  	s1 =	sld [smem:$0x3FAE]  }
0x28: {  	s2 =	sld [smem:$0x3FAF]  }
0x29: {  	s4 =	sld [smem:$0x3FB1]  }
0x2a: {  	p0 =	seq.s32 s5, $0x0;
	s5 =	sld [smem:$0x3FB2]  }
0x2b: {  	s6 =	sld [smem:$0x3FB3]  }
0x2c: {  	s7 =	sld [smem:$0x3FB4]  }
0x2d: {  	s3 =	simm.s32 $0x108;
	s8 =	sld [smem:$0x3FB5]  }
0x2e: {  	s3 =	simm.s32 @!p0 $0x1082;
	s9 =	sld [smem:$0x3FB6]  }
0x2f: {  	lr =	sadd.s32 s0, s3;
	s0 =	sld [smem:$0x3FAD]  }
0x30: {  	s3 =	sld [smem:$0x3FB0]  }
0x31: {  	[smem:$0x3FB9] =	sst s10  }
0x32: {  	s10 =	sld [smem:$0x3FB7];
	_ =	sdelay $0x3  }
0x33: {  	p0 =	seq.s32 s10, $0x1;
	s10 =	sld [smem:$0x3FB9];
	_ =	sdelay $0x3  }
0x34: {  	[smem:$0x3FB9] =	sst s10  }
0x35: {  	s10 =	sld [smem:$0x3FB8];
	_ =	sdelay $0x3  }
0x36: {  	p1 =	seq.s32 s10, $0x1;
	s10 =	sld [smem:$0x3FB9];
	_ =	sdelay $0x3  }
0x37: {  	[smem:$0x3FB9] =	sst s10  }
0x38: {  	s10 =	sld [smem:$0x3FBA]  }
0x39: {  	_ = 	snop;
	(pc) =	sbr.ind lr, $3  }
0x3a: {  	_ = 	snop  }
0x3b: {  	_ = 	snop  }
0x3c: {  	p2 =	seq.s32 s10, $0x1;
	s10 =	sld [smem:$0x3FB9]  }
0x3d: {  	_ =	shalt  }
0x3e: {  	_ =	shalt  }
0x3f: {  	_ =	shalt  }
0x40: {  	_ =	shalt  }
0x41: {  	_ =	shalt  }
0x42: {  	_ =	shalt  }
0x43: {  	_ =	shalt  }
0x44: {  	_ =	shalt  }
0x45: {  	_ =	shalt  }
0x46: {  	_ =	shalt  }
0x47: {  	_ =	shalt  }
0x48: {  	_ =	shalt  }
0x49: {  	_ =	shalt  }
0x4a: {  	_ =	shalt  }
0x4b: {  	_ =	shalt  }
0x4c: {  	_ =	shalt  }
0x4d: {  	_ =	shalt  }
0x4e: {  	_ =	shalt  }
0x4f: {  	_ =	shalt  }
0x50: {  	_ =	shalt  }
0x51: {  	_ =	shalt  }
0x52: {  	_ =	shalt  }
0x53: {  	_ =	shalt  }
0x54: {  	_ =	shalt  }
0x55: {  	_ =	shalt  }
0x56: {  	_ =	shalt  }
0x57: {  	_ =	shalt  }
0x58: {  	_ =	shalt  }
0x59: {  	_ =	shalt  }
0x5a: {  	_ =	shalt  }
0x5b: {  	_ =	shalt  }
0x5c: {  	_ =	shalt  }
0x5d: {  	_ =	shalt  }
0x5e: {  	_ =	shalt  }
0x5f: {  	_ =	shalt  }
0x60: {  	_ =	shalt  }
0x61: {  	_ =	shalt  }
0x62: {  	_ =	shalt  }
0x63: {  	_ =	shalt  }
0x64: {  	_ =	shalt  }
0x65: {  	_ =	shalt  }
0x66: {  	_ =	shalt  }
0x67: {  	_ =	shalt  }
0x68: {  	_ =	shalt  }
0x69: {  	_ =	shalt  }
0x6a: {  	_ =	shalt  }
0x6b: {  	_ =	shalt  }
0x6c: {  	_ =	shalt  }
0x6d: {  	_ =	shalt  }
0x6e: {  	_ =	shalt  }
0x6f: {  	_ =	shalt  }
0x70: {  	_ =	shalt  }
0x71: {  	_ =	shalt  }
0x72: {  	_ =	shalt  }
0x73: {  	_ =	shalt  }
0x74: {  	_ =	shalt  }
0x75: {  	_ =	shalt  }
0x76: {  	_ =	shalt  }
0x77: {  	_ =	shalt  }
0x78: {  	_ =	shalt  }
0x79: {  	_ =	shalt  }
0x7a: {  	_ =	shalt  }
0x7b: {  	_ =	shalt  }
0x7c: {  	_ =	shalt  }
0x7d: {  	_ =	shalt  }
0x7e: {  	_ =	shalt  }
0x7f: {  	_ =	shalt  }
0x80: {  	_ =	shalt  }
0x81: {  	_ =	shalt  }
0x82: {  	_ =	shalt  }
0x83: {  	_ =	shalt  }
0x84: {  	_ =	shalt  }
0x85: {  	_ =	shalt  }
0x86: {  	_ =	shalt  }
0x87: {  	_ =	shalt  }
.Lfunc_end0:
.L_simem_size_0:
called_computation_lowered:
.L_overlay_start_0:
0x88: {  	s2 =	sld [smem:$0x3FD9]  }
0x89: {  	s3 =	sld [smem:$0x3FFE];
	_ =	sdelay $0x1  }
0x8a: {  	s1 =	srdreg.scid  }
0x8b: {  	s0 =	sand.u32 $0x1, s1  }
0x8c: {  	s17 =	sshll.u32 s0, $0xA;
	s2 =	sadd.s32 s3, s2  }
0x8d: {  	s2 =	sadd.s32 s2, s17  }
0x8e: {  	[smem:$0x3FC5] =	sst s2  }
0x8f: {  	_ = 	snop  }
0x90: {  	s2 =	sld [smem:$0x3FC9]  }
0x91: {  	s18 =	sld [smem:$0x3FC8]  }
0x92: {  	s4 =	sld [smem:$0x3FC7];
	(tm) =	ssettm $0x1  }
0x93: {  	s5 =	sld [smem:$0x3FFB];
	_ =	sdelay $0x3  }
0x94: {  	_ =	strace s5  }
0x95: {  	s5 =	sld [smem:$0x3FFC];
	_ =	sdelay $0x3  }
0x96: {  	_ =	strace s5  }
0x97: {  	s5 =	sld [smem:$0x3FFD];
	_ =	sdelay $0x3  }
0x98: {  	_ =	strace s5  }
0x99: {  	_ =	strace $0x8FFFFFFF  }
0x9a: {  	s19 =	sld [smem:$0x3FDB];
	_ =	sdelay $0x1  }
0x9b: {  	s6 =	simm.s32 $_scs_section_size  }
0x9c: {  	s7 =	simm.s32 $_size__tile_overlayer_lowered;
	s8 =	simm.s32 $_tile_overlayer_lowered  }
0x9d: {  	s22 =	simm.s32 $0x1BFF;
	s21 =	sshll.u32 s8, $0x1;
	s5 =	sadd.s32 s6, s19  }
0x9e: {  	s9 =	simm.s32 $0x0;
	s20 =	sshll.u32 s7, $0x1;
	s7 =	sadd.s32 s21, s5  }
0x9f: {  	[timem:s9], [sflag:s22] =	dma.local [hbm:s7], s20  }
0xa0: {  	_ =	swait.ge [sflag:s22], s20  }
0xa1: {  	s6 =	ssub.s32 $0x0, s20;
	[sflag:s22] =	ssyncset.done $0x0  }
0xa2: {  	[sflag:s22] =	ssyncadd.s32 s6;
	_ =	sdelay $0x1  }
0xa3: {  	s23 =	simm.s32 $0x1B8B  }
0xa4: {  	_ =	swait.ge [sflag:s23], $0x1  }
0xa5: {  	[sflag:s23] =	ssyncset.done $0x0  }
0xa6: {  	s25 =	simm.s32 $0x1B8E;
	s24 =	sld [smem:$0x3FFE];
	[sflag:s23] =	ssyncadd.s32 $0xFFFFFFFF  }
0xa7: {  	s26 =	simm.s32 $execute0_lowered;
	[smem:$0x3FD2] =	sst s25  }
0xa8: {  	s7 =	sshll.u32 s26, $0x1;
	_ =	strace $0x80000046;
	[dreg:$0x1] =	wrdreg $0xFFFFFFFF  }
0xa9: {  	s28 =	simm.s32 $_size_execute0_lowered;
	s5 =	sadd.s32 s5, s7;
	[dreg:$0x0] =	wrdreg $0x0  }
0xaa: {  	s7 =	sshll.u32 s28, $0x1;
	[dreg:$0x2] =	wrdreg s5  }
0xab: {  	[dreg:$0x3] =	wrdreg s7  }
0xac: {  	[dreg:$0x4] =	wrdreg $0xC0  }
0xad: {  	_ =	task [dreg:s9], $0x5FFFF  }
0xae: {  	[dreg:$0x1] =	wrdreg $0xFFFFFFFF  }
0xaf: {  	[dreg:$0x0] =	wrdreg $0x60  }
0xb0: {  	[dreg:$0x2] =	wrdreg s2  }
0xb1: {  	[dreg:$0x3] =	wrdreg s18  }
0xb2: {  	[dreg:$0x4] =	wrdreg s4  }
0xb3: {  	[dreg:$0x5] =	wrdreg s24  }
0xb4: {  	[dreg:$0x6] =	wrdreg $0x9  }
0xb5: {  	_ =	task.clear_ibuf [dreg:s9], $0x7FFFF;
	_ =	strace $0x90000046  }
0xb6: {  	s29 =	simm.s32 $0x9;
	_ =	strace $0x80000048  }
0xb7: {  	_ =	swait.ge [sflag:s29], $0x1  }
0xb8: {  	[sflag:s29] =	ssyncadd.s32 $0xFFFFFFFF  }
0xb9: {  	_ =	strace $0x90000048  }
0xba: {  	_ =	sfence  }
0xbb: {  	s30 =	sld [smem:$0x0];
	_ =	sdelay $0x2  }
0xbc: {  	s31 =	sshll.u32 s1, $0xD;
	s1 =	sshrl.u32 s1, $0x2  }
0xbd: {  	s3 =	sand.u32 $0x4000, s31;
	s1 =	sadd.s32 s1, s30  }
0xbe: {  	s0 =	sor.u32 s3, s0;
	s1 =	sshll.u32 s1, $0x11  }
0xbf: {  	s0 =	sor.u32 s1, s0  }
0xc0: {  	s0 =	sadd.s32 $0x8F2B, s0  }
0xc1: {  	[sflag:s0] =	ssyncadd.remote.s32 $0x1  }
0xc2: {  	_ =	sfence.sel $0xFFFF  }
0xc3: {  	[dreg:$0x0] =	wrdreg $0xFFFFFFFF;
	(pc) =	sbr.abs _section_cstart, $3  }
0xc4: {  	[dreg:$0x1] =	wrdreg $0xFFFFFFFF  }
0xc5: {  	_ =	task.clear_ibuf [dreg:s9], $0x2FFFF;
	_ =	strace $0x9FFFFFFF  }
0xc6: {  	(tm) =	ssettm $0x7FFFFFFF  }
0xc7: {  	_ =	shalt  }
tec
execute0_lowered:
.L_overlay_start_1:
0x0: {  	(tag) =	ssettag $0x1  }
0x1: {  	s4 =	rddreg [dreg:$0x0]  }
0x2: {  	s12 =	rddreg [dreg:$0x1]  }
0x3: {  	s13 =	rddreg [dreg:$0x2]  }
0x4: {  	s0 =	srdreg.scid;
	s1 =	rddreg [dreg:$0x3]  }
0x5: {  	s8 =	stileid.u32;
	s5 =	simm.s32 $0x0;
	s30 =	simm.s32 $0x2  }
0x6: {  	s0 =	sand.u32 $0x1, s0;
	[smem:$0x7FF] =	sst s5;
	s6 =	sshll.u32 s8, $0x4  }
0x7: {  	s7 =	sand.u32 $0x1, s8;
	s15 =	sshll.u32 s8, $0xF;
	s2 =	sshll.u32 s0, $0x4  }
0x8: {  	s6 =	sand.u32 $0x70, s6;
	p1 =	seq.s32 s7, $0x1;
	s0 =	ssub.s32 $0x2, s0  }
0x9: {  	_ =	strace $0x80000047;
	s2 =	sor.u32 s8, s2;
	s14 =	sshrl.u32 s0, $0x1  }
0xa: {  	s3 =	sshll.u32 s2, $0x4;
	p0 =	seq.s32 s2, $0x0;
	s2 =	sshrl.u32 s2, $0x1  }
0xb: {  	s0 =	ssub.s32 s0, s14;
	s3 =	sand.u32 $0x180, s3;
	p0 =	por !p0, !p1  }
0xc: {  	s0 =	smax.u32 s0, $0x1;
	s3 =	sor.u32 s6, s3;
	p0 =	por !p0, !p0  }
0xd: {  	s6 =	simm.s32 $0x1;
	s1 =	sadd.s32 s3, s1;
	s3 =	simm.s32 $0x1  }
0xe: {  	[dreg:$0xe] =	wrdreg s0;
	s3 =	simm.s32 @!p0 $0x0;
	s31 =	sadd.s32 $0xC00, s1  }
0xf: {  	s1 =	sadd.s32 $0xE00, s1;
	s2 =	ssub.s32 s2, s3;
	[dreg:$0xc] =	wrdreg s31  }
0x10: {  	s3 =	sand.u32 $0x8000, s15;
	[dreg:$0xd] =	wrdreg s1;
	s1 =	simm.s32 $0x0  }
0x11: {  	s16 =	sshll.u32 s2, $0x10;
	s9 =	sshll.u32 s2, $0x7;
	s7 =	sshll.u32 s2, $0x14  }
0x12: {  	s20 =	sadd.s32 s4, s3;
	s10 =	sshll.u32 s3, $0x3;
	s17 =	sand.u32 $0xFFF80000, s16  }
0x13: {  	s18 =	sand.u32 $0x380, s9;
	s19 =	sshrl.u32 s7, $0x3;
	s22 =	sor.u32 $0x2000, s10  }
0x14: {  	s16 =	smov.u32 s13;
	s29 =	sor.u32 $0x6000, s10;
	s8 =	sor.u32 s17, s18  }
0x15: {  	s2 =	sadd.s32 s19, s20;
	[dreg:$0xb] =	wrdreg s29;
	s11 =	sshrl.u32 s8, $0x3  }
0x16: {  	s24 =	sor.u32 s22, s7;
	[dreg:$0x5] =	wrdreg s2;
	s21 =	sor.u32 s3, s11  }
0x17: {  	s25 =	sshrl.u32 s24, $0x3;
	s3 =	sor.u32 s22, s8;
	s23 =	sadd.s32 s12, s21  }
.Ltmp0:
0x18: {  	s2 =	sadd.s32 s13, s21;
	[dreg:$0x6] =	wrdreg s23;
	(pc) =	sbr.rel .LBB2_1-.Ltmp0, $4  }
0x19: {  	s3 =	sshrl.u32 s3, $0x3;
	[dreg:$0x7] =	wrdreg s2;
	s2 =	sadd.s32 s4, s25  }
0x1a: {  	s15 =	sor.u32 $0x4000, s10;
	s26 =	sadd.s32 s12, s3;
	[dreg:$0x8] =	wrdreg s2  }
0x1b: {  	s22 =	simm.s32 $0x80;
	s28 =	sadd.s32 s13, s3;
	[dreg:$0x9] =	wrdreg s26  }
0x1c: {  	v0 =	vlaneseq.u32;
	s23 =	simm.s32 $0x400;
	[dreg:$0xa] =	wrdreg s28;
	s26 =	simm.s32 $0x4000  }
.LBB2_8:
0x1d: {  	[tilespmem:$0x9000] =	vst v2;
	s0 =	rddreg [dreg:$0xc];
	s1 =	simm.s32 $0x9000;
	s2 =	simm.s32 $0x3  }
0x1e: {  	[hbm4b:s0+s5] =	stream.linear.scatter [tilespmem:s1], [sflag:$0x3], $0x80, $0x38;
	[tilespmem:$0x9080] =	vst v63  }
0x1f: {  	_ =	swait.ge [sflag:s2], $0x80  }
0x20: {  	[sflag:s2] =	ssyncset.done $0x0  }
0x21: {  	[sflag:s2] =	ssyncadd.s32 $0xFFFFFF80  }
0x22: {  	s28 =	rddreg [dreg:$0xd];
	[tilespmem:$0x9000] =	vst v1  }
0x23: {  	[hbm4b:s28+s5] =	stream.linear.scatter [tilespmem:s1], [sflag:$0x3], $0x80, $0x38;
	[tilespmem:$0x9080] =	vst v63  }
0x24: {  	_ =	swait.ge [sflag:s2], $0x80  }
0x25: {  	s29 =	rddreg [dreg:$0xf]  }
0x26: {  	s31 =	rddreg [dreg:$0xe];
	s1 =	sadd.s32 $0x1, s29  }
0x27: {  	p0 =	sne.s32 s1, s31  }
.Ltmp1:
0x28: {  	_ = 	snop;
	(pc) =	sbr.rel @!p0 .LBB2_9-.Ltmp1, $3  }
0x29: {  	_ =	sdelay $0x1  }
0x2a: {  	[sflag:s2] =	ssyncset.done $0x0  }
0x2b: {  	[sflag:s2] =	ssyncadd.s32 $0xFFFFFF80  }
.LBB2_1:
0x2c: {  	[dreg:$0xf] =	wrdreg s1  }
0x2d: {  	s0 =	rddreg [dreg:$0x5];
	s18 =	simm.s32 $0x2000;
	s2 =	simm.s32 $0x80000  }
0x2e: {  	[tilespmem:s5], [sflag:$0x1] =	stream.strided.gather [hbm4b:s0+s18], $0x4000, s2, s18, $0x38;
	[tilespmem:$0x9080] =	vst v63  }
0x2f: {  	s19 =	rddreg [dreg:$0x6];
	s3 =	simm.s32 $0x8000  }
0x30: {  	[tilespmem:s3], [sflag:$0x1] =	stream.strided.gather [hbm4b:s19+s22], $0x400, s23, s22, $0x38;
	[tilespmem:$0x9080] =	vst v63  }
0x31: {  	s20 =	rddreg [dreg:$0x7];
	s21 =	simm.s32 $0x8800  }
0x32: {  	[tilespmem:s21], [sflag:$0x1] =	stream.strided.gather [hbm4b:s20+s22], $0x400, s23, s22, $0x38;
	[tilespmem:$0x9080] =	vst v63  }
0x33: {  	s24 =	rddreg [dreg:$0x8]  }
0x34: {  	[tilespmem:s26], [sflag:$0x2] =	stream.strided.gather [hbm4b:s24+s18], $0x4000, s2, s18, $0x38;
	[tilespmem:$0x9080] =	vst v63  }
0x35: {  	s25 =	rddreg [dreg:$0x9];
	s28 =	simm.s32 $0x8400  }
0x36: {  	[tilespmem:s28], [sflag:$0x2] =	stream.strided.gather [hbm4b:s25+s22], $0x400, s23, s22, $0x38;
	[tilespmem:$0x9080] =	vst v63  }
0x37: {  	s29 =	rddreg [dreg:$0xa];
	s31 =	simm.s32 $0x8C00;
	s24 =	simm.s32 $0x0  }
0x38: {  	v1 =	vimm.f32 $0.0e+00;
	v2 =	vimm.f32 $0.0e+00;
	[tilespmem:s31], [sflag:$0x2] =	stream.strided.gather [hbm4b:s29+s22], $0x400, s23, s22, $0x38;
	[tilespmem:$0x9080] =	vst v63  }
.LBB2_2:
0x39: {  	_ =	swait.ge [sflag:s6], $0x4000  }
0x3a: {  	[sflag:s6] =	ssyncset.done $0x0  }
0x3b: {  	[sflag:s6] =	ssyncadd.s32 $0xFFFFC000  }
0x3c: {  	_ =	swait.ge [sflag:s6], $0x400  }
0x3d: {  	[sflag:s6] =	ssyncset.done $0x0  }
0x3e: {  	[sflag:s6] =	ssyncadd.s32 $0xFFFFFC00  }
0x3f: {  	s25 =	simm.s32 $0x10;
	s0 =	simm.s32 $0x0;
	_ =	swait.ge [sflag:s6], $0x400  }
0x40: {  	s31 =	sand.u32 $0x1C00, s0;
	s11 =	sand.u32 $0x70, s25;
	[sflag:s6] =	ssyncset.done $0x0  }
0x41: {  	s0 =	sor.u32 s11, s31;
	[sflag:s6] =	ssyncadd.s32 $0xFFFFFC00  }
0x42: {  	v3 =	vld [tilespmem:s0+$0x0]  }
0x43: {  	v4 =	vld [tilespmem:s0+$0x80]  }
0x44: {  	v5 =	vld [tilespmem:s0+$0x100]  }
0x45: {  	v6 =	vld [tilespmem:s0+$0x180]  }
0x46: {  	v7 =	vld [tilespmem:s0+$0x200]  }
0x47: {  	s2 =	simm.s32 $0x0;
	v8 =	vld [tilespmem:s0+$0x280]  }
0x48: {  	s9 =	sand.u32 $0x60, s2;
	v9 =	vld [tilespmem:s0+$0x300];
	v3 =	vmul.f32 $1.442695020e+00, v3  }
0x49: {  	s1 =	sor.u32 s9, s31;
	v10 =	vld [tilespmem:s0+$0x380];
	v4 =	vmul.f32 $1.442695020e+00, v4;
	v5 =	vmul.f32 $1.442695020e+00, v5  }
0x4a: {  	v6 =	vmul.f32 $1.442695020e+00, v6;
	(erf) = vpow2.f32 v3;
	v3 =	vld [tilespmem:s1+$0x0]  }
0x4b: {  	v7 =	vmul.f32 $1.442695020e+00, v7;
	(erf) = vpow2.f32 v4;
	v4 =	vld [tilespmem:s1+$0x80]  }
0x4c: {  	v8 =	vmul.f32 $1.442695020e+00, v8;
	(erf) = vpow2.f32 v5;
	v5 =	vld [tilespmem:s1+$0x100]  }
0x4d: {  	v9 =	vmul.f32 $1.442695020e+00, v9;
	(erf) = vpow2.f32 v6;
	v6 =	vld [tilespmem:s1+$0x180]  }
0x4e: {  	v11 =	vld [tilespmem:s1+$0x200];
	(erf) = vpow2.f32 v7;
	v7 =	vmul.f32 $1.442695020e+00, v10  }
0x4f: {  	v10 =	vld [tilespmem:s1+$0x280];
	(erf) = vpow2.f32 v8;
	v3 =	vmul.f32 $1.442695020e+00, v3  }
0x50: {  	s4 =	sor.u32 $0x2000, s31;
	v12 =	vld [tilespmem:s1+$0x300];
	(erf) = vpow2.f32 v9;
	v4 =	vmul.f32 $1.442695020e+00, v4  }
0x51: {  	s14 =	sor.u32 s11, s4;
	v13 =	vld [tilespmem:s1+$0x380];
	(erf) = vpow2.f32 v7;
	v5 =	vmul.f32 $1.442695020e+00, v5  }
0x52: {  	s3 =	sor.u32 $0x2080, s31;
	(erf) = vpow2.f32 v3;
	v3 =	vmul.f32 $1.442695020e+00, v6;
	v6 =	vld [tilespmem:s14+$0x0]  }
0x53: {  	s10 =	sor.u32 $0x2100, s31;
	s17 =	sor.u32 s11, s3;
	(erf) = vpow2.f32 v4;
	v7 =	vpop (erf);
	v4 =	vmul.f32 $1.442695020e+00, v11  }
0x54: {  	s12 =	sor.u32 $0x2180, s31;
	s18 =	sor.u32 s11, s10;
	v14 =	vld [tilespmem:s17+$0x0];
	(erf) = vpow2.f32 v5;
	v8 =	vpop (erf);
	v5 =	vmul.f32 $1.442695020e+00, v10  }
0x55: {  	s13 =	sor.u32 $0x2200, s31;
	s19 =	sor.u32 s11, s12;
	v16 =	vld [tilespmem:s18+$0x0];
	(erf) = vpow2.f32 v3;
	v9 =	vpop (erf);
	v3 =	vmul.f32 $1.442695020e+00, v12  }
0x56: {  	s20 =	sor.u32 s11, s13;
	s17 =	sor.u32 $0x2300, s31;
	v12 =	vld [tilespmem:s19+$0x0];
	(erf) = vpow2.f32 v4;
	v10 =	vpop (erf);
	v4 =	vmul.f32 $1.442695020e+00, v13  }
0x57: {  	s28 =	sor.u32 s11, s17;
	s14 =	sor.u32 $0x2280, s31;
	(erf) = vpow2.f32 v5;
	v11 =	vpop (erf);
	v5 =	vmul.f32 $1.442695020e+00, v6;
	v6 =	vld [tilespmem:s20+$0x0]  }
0x58: {  	v20 =	vld [tilespmem:s28+$0x0];
	s21 =	sor.u32 s11, s14;
	(erf) = vpow2.f32 v3;
	v13 =	vpop (erf)  }
0x59: {  	s18 =	sor.u32 $0x2380, s31;
	s19 =	sor.u32 s9, s12;
	v3 =	vmul.f32 $1.442695020e+00, v14;
	v14 =	vld [tilespmem:s21+$0x0];
	v15 =	vpop (erf);
	(erf) = vpow2.f32 v4  }
0x5a: {  	s29 =	sor.u32 s11, s18;
	v28 =	vld [tilespmem:s19+$0x0];
	v4 =	vmul.f32 $1.442695020e+00, v16;
	v17 =	vpop (erf);
	(erf) = vpow2.f32 v5  }
0x5b: {  	s0 =	sor.u32 s9, s4;
	s4 =	sor.u32 s9, s3;
	v5 =	vmul.f32 $1.442695020e+00, v12;
	v12 =	vld [tilespmem:s29+$0x0];
	v16 =	vpop (erf);
	(erf) = vpow2.f32 v3  }
0x5c: {  	v18 =	vpop (erf);
	(erf) = vpow2.f32 v4;
	v4 =	vmul.f32 $1.442695020e+00, v6;
	v6 =	vld [tilespmem:s4+$0x0]  }
0x5d: {  	v22 =	vmul.f32 $1.442695020e+00, v20;
	s21 =	sor.u32 s9, s14;
	v3 =	vld [tilespmem:s0+$0x0]  }
0x5e: {  	s10 =	sor.u32 s9, s10;
	v31 =	vld [tilespmem:s21+$0x0];
	v19 =	vpop (erf);
	(erf) = vpow2.f32 v5;
	v5 =	vmul.f32 $1.442695020e+00, v14  }
0x5f: {  	v28 =	vmul.f32 $1.442695020e+00, v28;
	v14 =	vld [tilespmem:s10+$0x0];
	v21 =	vpop (erf);
	(erf) = vpow2.f32 v4  }
0x60: {  	s20 =	sor.u32 s9, s13;
	v20 =	vpop (erf);
	v4 =	vmul.f32 $1.442695020e+00, v12;
	(erf) = vpow2.f32 v5  }
0x61: {  	v5 =	vld [tilespmem:s20+$0x0];
	v23 =	vpop (erf);
	(erf) = vpow2.f32 v22;
	v29 =	vmul.f32 $1.442695020e+00, v6  }
0x62: {  	p1 =	por $0x1, $0x1;
	v30 =	vor.u32 s25, v0;
	s28 =	sor.u32 s9, s17;
	v12 =	vmul.f32 $1.442695020e+00, v3;
	v24 =	vpop (erf);
	(erf) = vpow2.f32 v4  }
.Ltmp2:
0x63: {  	v27 =	vld [tilespmem:s28+$0x0];
	s29 =	sor.u32 s9, s18;
	v37 =	vmul.f32 $1.442695020e+00, v31;
	v3 =	vmov s25;
	v4 =	vor.u32 s2, v0;
	v25 =	vpop (erf);
	(pc) =	sbr.rel @!p1 .LBB2_4-.Ltmp2, $4  }
0x64: {  	s10 =	simm.s32 $0x8810;
	v6 =	vmov s2;
	v32 =	vmul.f32 $1.442695020e+00, v14;
	v14 =	vld [tilespmem:s29+$0x0];
	(erf) = vpow2.f32 v12;
	v26 =	vpop (erf)  }
0x65: {  	v22 =	vld [tilespmem:s10+$0x0];
	v35 =	vshll.u32 v3, $0x3;
	v33 =	vmov v4;
	(erf) = vpow2.f32 v29;
	v29 =	vpop (erf)  }
0x66: {  	s12 =	simm.s32 $0x8010;
	v12 =	vld [tilespmem:s10+$0xFFFFFFF0];
	v36 =	vmul.f32 $1.442695020e+00, v5;
	v5 =	vand.u32 $0x7F, v30;
	(erf) = vpow2.f32 v32;
	v30 =	vpop (erf)  }
0x67: {  	s13 =	simm.s32 $0x30;
	s14 =	simm.s32 $0x100;
	v34 =	vmov v6;
	v32 =	vld [tilespmem:s12+$0x0];
	(erf) = vpow2.f32 v28;
	v28 =	vmov v5;
	v31 =	vpop (erf)  }
.LBB2_3:
0x68: {  	s2 =	sand.u32 $0x1C00, s14;
	s19 =	sand.u32 $0x70, s13;
	v27 =	vmul.f32 $1.442695020e+00, v27;
	v38 =	vld [tilespmem:s12+$0xFFFFFFF0];
	v33 =	vand.u32 $0x6F, v33;
	(erf) = vpow2.f32 v36;
	v36 =	vpop (erf)  }
0x69: {  	v34 =	vshll.u32 v34, $0x3;
	s0 =	sor.u32 s19, s2;
	v14 =	vmul.f32 $1.442695020e+00, v14;
	(erf) = vpow2.f32 v37;
	v37 =	vpop (erf)  }
0x6a: {  	v35 =	vand.u32 $0x1C00, v35;
	v34 =	vand.u32 $0x1C00, v34;
	v39 =	vld [tilespmem:s0+$0x0];
	(erf) = vpow2.f32 v27;
	v40 =	vpop (erf)  }
0x6b: {  	v28 =	vor.u32 v35, v28;
	v27 =	vor.u32 v34, v33;
	v41 =	vld [tilespmem:s0+$0x80];
	(erf) = vpow2.f32 v14;
	v33 =	vpop (erf)  }
0x6c: {  	v14 =	vmul.f32 v12, v12;
	v12 =	vmul.f32 v22, v22;
	v34 =	vld [tilespmem:s0+$0x100];
	v35 =	vshll.u32 v32, $0x7  }
0x6d: {  	v32 =	vshll.u32 v32, $0xA;
	v42 =	vld [tilespmem:s0+$0x180];
	v43 =	vshll.u32 v38, $0xA;
	v38 =	vshll.u32 v38, $0x7;
	v44 =	vpop (erf)  }
0x6e: {  	v7 =	vadd.f32 v8, v7;
	v8 =	vadd.f32 v10, v9;
	v22 =	vand.u32 $0x380, v35;
	v45 =	vld [tilespmem:s0+$0x200];
	v9 =	vpop (erf)  }
0x6f: {  	s17 =	sadd.s32 $0xFFFFFFF0, s13;
	v11 =	vadd.f32 v13, v11;
	v13 =	vadd.f32 v17, v15;
	v15 =	vand.u32 $0xFFFFE000, v32;
	v10 =	vld [tilespmem:s0+$0x280];
	v17 =	vpop (erf)  }
0x70: {  	v16 =	vadd.f32 v18, v16;
	v18 =	vadd.f32 v21, v19;
	s18 =	sand.u32 $0x60, s17;
	p0 =	slt.u32 s17, $0x3E0;
	v35 =	vmul.f32 $1.442695020e+00, v39;
	v32 =	vld [tilespmem:s0+$0x300];
	v19 =	vpop (erf)  }
0x71: {  	v20 =	vadd.f32 v23, v20;
	v23 =	vadd.f32 v25, v24;
	s1 =	sor.u32 s18, s2;
	v39 =	vmul.f32 $1.442695020e+00, v41;
	v21 =	vld [tilespmem:s0+$0x380];
	v24 =	vpop (erf)  }
0x72: {  	v26 =	vadd.f32 v29, v26;
	v29 =	vadd.f32 v31, v30;
	v34 =	vmul.f32 $1.442695020e+00, v34;
	v25 =	vld [tilespmem:s1+$0x0];
	v30 =	vpop (erf)  }
0x73: {  	v36 =	vadd.f32 v37, v36;
	v33 =	vadd.f32 v33, v40;
	v41 =	vmul.f32 $1.442695020e+00, v42;
	v31 =	vld [tilespmem:s1+$0x80];
	v37 =	vpop (erf)  }
0x74: {  	v9 =	vadd.f32 v9, v44;
	v17 =	vadd.f32 v19, v17;
	v42 =	vmul.f32 $1.442695020e+00, v45;
	v40 =	vld [tilespmem:s1+$0x100];
	v19 =	vpop (erf)  }
0x75: {  	v24 =	vadd.f32 v30, v24;
	v10 =	vmul.f32 $1.442695020e+00, v10;
	v44 =	vld [tilespmem:s1+$0x180];
	v19 =	vadd.f32 v19, v37  }
0x76: {  	v7 =	vadd.f32 v8, v7;
	v8 =	vadd.f32 v13, v11;
	v32 =	vmul.f32 $1.442695020e+00, v32;
	v30 =	vld [tilespmem:s1+$0x200]  }
0x77: {  	v16 =	vadd.f32 v18, v16;
	v18 =	vadd.f32 v23, v20;
	v13 =	vmul.f32 $1.442695020e+00, v21;
	v11 =	vld [tilespmem:s1+$0x280]  }
0x78: {  	v9 =	vadd.f32 v17, v9;
	v21 =	vmul.f32 $1.442695020e+00, v25;
	v17 =	vadd.f32 v19, v24;
	v20 =	vld [tilespmem:s1+$0x300]  }
0x79: {  	v23 =	vadd.f32 v29, v26;
	v24 =	vadd.f32 v33, v36;
	v19 =	vmul.f32 $1.442695020e+00, v31  }
0x7a: {  	v16 =	vadd.f32 v18, v16;
	s0 =	sor.u32 $0x2000, s2;
	v26 =	vmul.f32 $1.442695020e+00, v40;
	v9 =	vadd.f32 v17, v9;
	v25 =	vld [tilespmem:s1+$0x380]  }
0x7b: {  	v7 =	vadd.f32 v8, v7;
	v17 =	vmul.f32 $1.442695020e+00, v44;
	s1 =	sor.u32 s19, s0;
	v18 =	vmul.f32 $1.442695020e+00, v30  }
0x7c: {  	s21 =	sor.u32 $0x2080, s2;
	v16 =	vadd.f32 v9, v16;
	v9 =	vadd.f32 v24, v23;
	v11 =	vmul.f32 $1.442695020e+00, v11;
	v8 =	vld [tilespmem:s1+$0x0]  }
0x7d: {  	v23 =	vand.u32 $0x380, v38;
	s1 =	sor.u32 s19, s21;
	v20 =	vmul.f32 $1.442695020e+00, v20;
	(erf) = vpow2.f32 v35  }
0x7e: {  	s20 =	sor.u32 $0x2100, s2;
	v29 =	vand.u32 $0x7FFFFF, v16;
	v30 =	vadd.f32 v9, v7;
	v24 =	vld [tilespmem:s1+$0x0];
	(erf) = vpow2.f32 v39  }
0x7f: {  	s1 =	sor.u32 s19, s20;
	v29 =	vor.u32 $0x3F800000, v29;
	v25 =	vmul.f32 $1.442695020e+00, v25;
	(erf) = vpow2.f32 v34  }
0x80: {  	s28 =	sor.u32 $0x2180, s2;
	v9 =	vmul.f32 $7.915161550e-02, v29;
	v31 =	vand.u32 $0x7FFFFF, v30;
	v7 =	vld [tilespmem:s1+$0x0];
	(erf) = vpow2.f32 v41  }
0x81: {  	s1 =	sor.u32 s19, s28;
	v31 =	vor.u32 $0x3F800000, v31;
	v33 =	vmul.f32 $1.442695020e+00, v8;
	(erf) = vpow2.f32 v42  }
0x82: {  	s3 =	sor.u32 $0x2200, s2;
	v9 =	vsub.f32 $6.288250080e-01, v9;
	v8 =	vld [tilespmem:s1+$0x0];
	(erf) = vpow2.f32 v10;
	v10 =	vmul.f32 $7.915161550e-02, v31  }
0x83: {  	s1 =	sor.u32 s19, s3;
	v24 =	vmul.f32 $1.442695020e+00, v24;
	(erf) = vpow2.f32 v32;
	v32 =	vand.u32 $0xFFFFE000, v43  }
0x84: {  	s29 =	sor.u32 $0x2280, s2;
	v9 =	vmul.f32 v29, v9;
	v34 =	vld [tilespmem:s1+$0x0];
	(erf) = vpow2.f32 v13;
	v10 =	vsub.f32 $6.288250080e-01, v10  }
0x85: {  	v15 =	vor.u32 v15, v28;
	s1 =	sor.u32 s19, s29;
	v35 =	vmul.f32 $1.442695020e+00, v7;
	(erf) = vpow2.f32 v21  }
0x86: {  	v13 =	vld [tilespmem:s1+$0x0];
	(erf) = vpow2.f32 v19;
	v7 =	vpop (erf);
	v19 =	vadd.f32 $-2.081084970e+00, v9;
	v36 =	vmul.f32 v31, v10  }
0x87: {  	v21 =	vor.u32 v32, v27;
	v28 =	vmul.f32 $1.442695020e+00, v8;
	(erf) = vpow2.f32 v26;
	v8 =	vpop (erf)  }
0x88: {  	s1 =	sor.u32 $0x2300, s2;
	(erf) = vpow2.f32 v17;
	v9 =	vpop (erf);
	v17 =	vmul.f32 v29, v19;
	v19 =	vadd.f32 $-2.081084970e+00, v36  }
0x89: {  	s4 =	sor.u32 s19, s1;
	v26 =	vmul.f32 $1.442695020e+00, v34;
	(erf) = vpow2.f32 v18;
	v10 =	vpop (erf);
	v18 =	vor.u32 v23, v21  }
0x8a: {  	s2 =	sor.u32 $0x2380, s2;
	v21 =	vld [tilespmem:s4+$0x0];
	(erf) = vpow2.f32 v11;
	v11 =	vpop (erf);
	v32 =	vadd.f32 $4.028400900e+00, v17;
	v19 =	vmul.f32 v31, v19  }
0x8b: {  	s4 =	sor.u32 s19, s2;
	v27 =	vmul.f32 $1.442695020e+00, v13;
	(erf) = vpow2.f32 v20;
	v13 =	vpop (erf);
	v20 =	vor.u32 v22, v15  }
0x8c: {  	s0 =	sor.u32 s18, s0;
	v34 =	vshra.s32 v16, $0x17;
	v22 =	vld [tilespmem:s4+$0x0];
	v15 =	vpop (erf);
	v23 =	vmul.f32 v29, v32;
	v19 =	vadd.f32 $4.028400900e+00, v19  }
0x8d: {  	v30 =	vshra.s32 v30, $0x17;
	v29 =	vld [tilespmem:s0+$0x0];
	(erf) = vpow2.f32 v25;
	v17 =	vpop (erf);
	v25 =	vadd.s32 $0xFFFFFF81, v34  }
0x8e: {  	s0 =	sor.u32 s18, s21;
	v16 =	vpop (erf);
	v23 =	vadd.f32 $-2.496785400e+00, v23;
	v25 =	vcvt.s32.f32 v25;
	v32 =	vld.idx.msk [tilespmem:v18+s5+$0x0], $0xffff;
	v31 =	vmul.f32 v31, v19  }
0x8f: {  	v34 =	vld [tilespmem:s0+$0x0];
	v36 =	vmul.f32 $1.442695020e+00, v21;
	v18 =	vpop (erf);
	(erf) = vpow2.f32 v33;
	v33 =	vadd.s32 $0xFFFFFF81, v30  }
0x90: {  	v19 =	vpop (erf);
	v37 =	vadd.f32 v25, v23;
	v25 =	vadd.f32 $-2.496785400e+00, v31;
	v30 =	vcvt.s32.f32 v33;
	v31 =	vld.idx.msk [tilespmem:v20+s5+$0x0], $0xffff  }
0x91: {  	s0 =	sor.u32 s18, s20;
	v22 =	vmul.f32 $1.442695020e+00, v22;
	v21 =	vpop (erf);
	(erf) = vpow2.f32 v24  }
0x92: {  	v33 =	vld [tilespmem:s0+$0x0];
	v20 =	vpop (erf);
	(erf) = vpow2.f32 v35;
	v35 =	vmul.f32 $6.931471820e-01, v37;
	v25 =	vadd.f32 v30, v25  }
0x93: {  	s0 =	sor.u32 s18, s28;
	v29 =	vmul.f32 $1.442695020e+00, v29;
	v30 =	vor.u32 s13, v0;
	v23 =	vpop (erf);
	(erf) = vpow2.f32 v28  }
0x94: {  	v28 =	vld [tilespmem:s0+$0x0];
	v24 =	vpop (erf);
	(erf) = vpow2.f32 v26;
	v26 =	vsub.f32 v35, v32;
	v32 =	vmul.f32 $6.931471820e-01, v25  }
0x95: {  	v38 =	vmov s13;
	s0 =	sor.u32 s18, s3;
	v35 =	vmul.f32 $1.442695020e+00, v34;
	(erf) = vpow2.f32 v27  }
0x96: {  	v37 =	vld [tilespmem:s0+$0x0];
	s0 =	sor.u32 s18, s29;
	v25 =	vpop (erf);
	(erf) = vpow2.f32 v36;
	v34 =	vmul.f32 v26, v14;
	v31 =	vsub.f32 v32, v31  }
0x97: {  	v32 =	vld [tilespmem:s0+$0x0];
	s0 =	sor.u32 s18, s1;
	v39 =	vmul.f32 $1.442695020e+00, v33;
	v33 =	vor.u32 s17, v0;
	(erf) = vpow2.f32 v22  }
.Ltmp3:
0x98: {  	v1 =	vadd.f32 v14, v1;
	v27 =	vld [tilespmem:s0+$0x0];
	s0 =	sor.u32 s18, s2;
	v26 =	vpop (erf);
	v2 =	vadd.f32 v34, v2;
	v31 =	vmul.f32 v31, v12;
	(pc) =	sbr.rel @p0 .LBB2_3-.Ltmp3, $4  }
0x99: {  	s10 =	sadd.s32 $0x20, s10;
	v34 =	vmov s17;
	v14 =	vld [tilespmem:s0+$0x0];
	v40 =	vmul.f32 $1.442695020e+00, v28;
	(erf) = vpow2.f32 v29  }
0x9a: {  	v1 =	vadd.f32 v12, v1;
	v22 =	vld [tilespmem:s10+$0x0];
	(erf) = vpow2.f32 v35;
	v29 =	vpop (erf);
	v2 =	vadd.f32 v31, v2  }
0x9b: {  	s12 =	sadd.s32 $0x20, s12;
	v28 =	vand.u32 $0x7F, v30;
	v36 =	vmul.f32 $1.442695020e+00, v37;
	v12 =	vld [tilespmem:s10+$0xFFFFFFF0];
	(erf) = vpow2.f32 v39;
	v30 =	vpop (erf)  }
0x9c: {  	s14 =	sadd.s32 $0x100, s14;
	s13 =	sadd.s32 $0x20, s13;
	v35 =	vshll.u32 v38, $0x3;
	v37 =	vmul.f32 $1.442695020e+00, v32;
	v32 =	vld [tilespmem:s12+$0x0];
	(erf) = vpow2.f32 v40;
	v31 =	vpop (erf)  }
.LBB2_4:
0x9d: {  	v27 =	vmul.f32 $1.442695020e+00, v27  }
0x9e: {  	(erf) = vpow2.f32 v36;
	v33 =	vand.u32 $0x6F, v33;
	v7 =	vadd.f32 v8, v7  }
0x9f: {  	v34 =	vshll.u32 v34, $0x3;
	v8 =	vadd.f32 v10, v9;
	v11 =	vadd.f32 v13, v11  }
0xa0: {  	v55 =	vand.u32 $0x1C00, v35;
	v13 =	vadd.f32 v17, v15;
	v16 =	vadd.f32 v18, v16  }
0xa1: {  	v38 =	vpop (erf);
	v18 =	vadd.f32 v21, v19;
	v14 =	vmul.f32 $1.442695020e+00, v14;
	(erf) = vpow2.f32 v37  }
0xa2: {  	v20 =	vadd.f32 v23, v20;
	v23 =	vadd.f32 v25, v24;
	v54 =	vpop (erf);
	(erf) = vpow2.f32 v27  }
0xa3: {  	v53 =	vld [tilespmem:s12+$0xFFFFFFF0];
	v26 =	vadd.f32 v29, v26;
	v27 =	vand.u32 $0x1C00, v34;
	v56 =	vpop (erf);
	(erf) = vpow2.f32 v14  }
0xa4: {  	v29 =	vadd.f32 v31, v30;
	v14 =	vor.u32 v27, v33;
	v27 =	vor.u32 v55, v28;
	v28 =	vpop (erf)  }
0xa5: {  	v31 =	vadd.f32 v54, v38;
	v7 =	vadd.f32 v8, v7;
	v58 =	vpop (erf)  }
0xa6: {  	v8 =	vadd.f32 v13, v11;
	v13 =	vadd.f32 v18, v16;
	v10 =	vpop (erf)  }
0xa7: {  	v16 =	vadd.f32 v29, v26;
	v57 =	vshll.u32 v32, $0x7;
	v19 =	vshll.u32 v32, $0xA;
	v17 =	vpop (erf)  }
0xa8: {  	v28 =	vadd.f32 v28, v56;
	v9 =	vshll.u32 v53, $0xA;
	v15 =	vshll.u32 v53, $0x7;
	v21 =	vpop (erf)  }
0xa9: {  	v24 =	vand.u32 $0x380, v57;
	v19 =	vand.u32 $0xFFFFE000, v19;
	v9 =	vand.u32 $0xFFFFE000, v9;
	v25 =	vpop (erf)  }
0xaa: {  	v19 =	vor.u32 v19, v27;
	v10 =	vadd.f32 v10, v58;
	v17 =	vadd.f32 v21, v17;
	v30 =	vpop (erf)  }
0xab: {  	v15 =	vand.u32 $0x380, v15;
	v9 =	vor.u32 v9, v14;
	v11 =	vor.u32 v24, v19;
	v59 =	vpop (erf)  }
0xac: {  	s10 =	sshll.u32 s24, $0xE;
	p0 =	seq.s32 s24, $0xF;
	v9 =	vor.u32 v15, v9;
	v25 =	vadd.f32 v30, v25;
	v10 =	vadd.f32 v17, v10;
	v21 =	vpop (erf)  }
0xad: {  	s0 =	sadd.s32 @!p0 s10, s15;
	v17 =	vadd.f32 v28, v31;
	v14 =	vadd.f32 v21, v59  }
0xae: {  	s2 =	rddreg [dreg:$0x0];
	s1 =	sor.u32 @!p0 s7, s0;
	v7 =	vadd.f32 v8, v7;
	v15 =	vadd.f32 v23, v20  }
0xaf: {  	s3 =	simm.s32 @!p0 $0x80000;
	s4 =	simm.s32 @!p0 $0x0;
	s1 =	sshrl.u32 @!p0 s1, $0x3;
	v8 =	vadd.f32 v17, v16;
	v14 =	vadd.f32 v14, v25  }
0xb0: {  	s0 =	sadd.s32 @!p0 s8, s0;
	s1 =	sadd.s32 @!p0 s2, s1;
	s2 =	simm.s32 @!p0 $0x2000;
	v18 =	vadd.f32 v15, v13;
	v15 =	vld.idx.msk [tilespmem:v11+s5+$0x0], $0xffff  }
0xb1: {  	v13 =	vld.idx.msk [tilespmem:v9+s5+$0x0], $0xffff;
	[tilespmem:s4], [sflag:$0x1] =	stream.strided.gather @!p0 [hbm4b:s1+s2], $0x4000, s3, s2, $0x38;
	v7 =	vadd.f32 v8, v7;
	v10 =	vadd.f32 v14, v10  }
0xb2: {  	s0 =	sshrl.u32 @!p0 s0, $0x3;
	s1 =	rddreg [dreg:$0x1];
	s2 =	simm.s32 @!p0 $0x80  }
0xb3: {  	s3 =	simm.s32 @!p0 $0x400;
	s4 =	simm.s32 @!p0 $0x8000;
	s1 =	sadd.s32 @!p0 s1, s0;
	v9 =	vadd.f32 v10, v18;
	v10 =	vand.u32 $0x7FFFFF, v7  }
0xb4: {  	[tilespmem:s4], [sflag:$0x1] =	stream.strided.gather @!p0 [hbm4b:s1+s2], $0x400, s3, s2, $0x38;
	v10 =	vor.u32 $0x3F800000, v10;
	[tilespmem:$0x9080] =	vst v63  }
0xb5: {  	s0 =	sadd.s32 @!p0 s16, s0;
	s1 =	simm.s32 @!p0 $0x8800;
	v8 =	vand.u32 $0x7FFFFF, v9;
	v14 =	vmul.f32 $7.915161550e-02, v10  }
0xb6: {  	[tilespmem:s1], [sflag:$0x1] =	stream.strided.gather @!p0 [hbm4b:s0+s2], $0x400, s3, s2, $0x38;
	v8 =	vor.u32 $0x3F800000, v8;
	[tilespmem:$0x9080] =	vst v63  }
0xb7: {  	v11 =	vmul.f32 $7.915161550e-02, v8;
	v14 =	vsub.f32 $6.288250080e-01, v14  }
0xb8: {  	_ =	swait.ge [sflag:s30], $0x4000  }
0xb9: {  	[sflag:s30] =	ssyncset.done $0x0;
	v11 =	vsub.f32 $6.288250080e-01, v11;
	v14 =	vmul.f32 v10, v14  }
0xba: {  	[sflag:s30] =	ssyncadd.s32 $0xFFFFC000  }
0xbb: {  	_ =	swait.ge [sflag:s30], $0x400;
	v11 =	vmul.f32 v8, v11;
	v14 =	vadd.f32 $-2.081084970e+00, v14  }
0xbc: {  	[sflag:s30] =	ssyncset.done $0x0  }
0xbd: {  	[sflag:s30] =	ssyncadd.s32 $0xFFFFFC00;
	v11 =	vadd.f32 $-2.081084970e+00, v11;
	v14 =	vmul.f32 v10, v14  }
0xbe: {  	_ =	swait.ge [sflag:s30], $0x400  }
0xbf: {  	s18 =	sor.u32 $0x4000, s31;
	[sflag:s30] =	ssyncset.done $0x0;
	v11 =	vmul.f32 v8, v11;
	v14 =	vadd.f32 $4.028400900e+00, v14  }
0xc0: {  	s4 =	sor.u32 s11, s18;
	[sflag:s30] =	ssyncadd.s32 $0xFFFFFC00  }
0xc1: {  	v7 =	vshra.s32 v7, $0x17;
	v11 =	vadd.f32 $4.028400900e+00, v11;
	v10 =	vmul.f32 v10, v14;
	v14 =	vld [tilespmem:s4+$0x80]  }
0xc2: {  	v7 =	vadd.s32 $0xFFFFFF81, v7;
	v9 =	vshra.s32 v9, $0x17  }
0xc3: {  	v7 =	vcvt.s32.f32 v7;
	v8 =	vmul.f32 v8, v11;
	v11 =	vld [tilespmem:s4+$0x0];
	v10 =	vadd.f32 $-2.496785400e+00, v10  }
0xc4: {  	v9 =	vadd.s32 $0xFFFFFF81, v9;
	v16 =	vld [tilespmem:s4+$0x100]  }
0xc5: {  	v9 =	vcvt.s32.f32 v9;
	v8 =	vadd.f32 $-2.496785400e+00, v8;
	v7 =	vadd.f32 v7, v10;
	v10 =	vld [tilespmem:s4+$0x200]  }
0xc6: {  	v26 =	vmul.f32 v12, v12;
	v12 =	vmul.f32 $1.442695020e+00, v14;
	v14 =	vld [tilespmem:s4+$0x380]  }
0xc7: {  	v8 =	vadd.f32 v9, v8;
	v9 =	vld [tilespmem:s4+$0x180]  }
0xc8: {  	v18 =	vmul.f32 $6.931471820e-01, v7;
	v7 =	vld [tilespmem:s4+$0x300];
	v11 =	vmul.f32 $1.442695020e+00, v11  }
0xc9: {  	s17 =	sor.u32 $0x6000, s31;
	v24 =	vmul.f32 v22, v22;
	v17 =	vmul.f32 $6.931471820e-01, v8;
	v8 =	vld [tilespmem:s4+$0x280]  }
0xca: {  	s14 =	sor.u32 $0x6080, s31;
	s12 =	sor.u32 s11, s17;
	v16 =	vmul.f32 $1.442695020e+00, v16;
	(erf) = vpow2.f32 v11  }
0xcb: {  	s13 =	sor.u32 s11, s14;
	s0 =	sor.u32 $0x6100, s31;
	v11 =	vld [tilespmem:s12+$0x0];
	v10 =	vmul.f32 $1.442695020e+00, v10;
	(erf) = vpow2.f32 v12  }
0xcc: {  	s19 =	sor.u32 s11, s0;
	s12 =	sor.u32 $0x6180, s31;
	v12 =	vld [tilespmem:s13+$0x0];
	v14 =	vmul.f32 $1.442695020e+00, v14;
	v9 =	vmul.f32 $1.442695020e+00, v9  }
0xcd: {  	s1 =	sor.u32 $0x6200, s31;
	s20 =	sor.u32 s11, s12;
	v17 =	vsub.f32 v17, v13;
	(erf) = vpow2.f32 v16;
	v16 =	vld [tilespmem:s19+$0x0];
	v7 =	vmul.f32 $1.442695020e+00, v7  }
0xce: {  	s2 =	sor.u32 $0x6280, s31;
	s21 =	sor.u32 s11, s1;
	v8 =	vmul.f32 $1.442695020e+00, v8;
	(erf) = vpow2.f32 v9;
	v9 =	vld [tilespmem:s20+$0x0]  }
0xcf: {  	s3 =	sor.u32 $0x6300, s31;
	s28 =	sor.u32 s11, s2;
	v27 =	vmul.f32 v17, v26;
	(erf) = vpow2.f32 v10;
	v10 =	vld [tilespmem:s21+$0x0]  }
0xd0: {  	s29 =	sor.u32 s11, s3;
	v19 =	vld [tilespmem:s28+$0x0];
	s13 =	sor.u32 $0x6380, s31;
	(erf) = vpow2.f32 v8;
	v8 =	vmul.f32 $1.442695020e+00, v11  }
0xd1: {  	s31 =	sor.u32 s11, s13;
	v11 =	vld [tilespmem:s29+$0x0];
	v12 =	vmul.f32 $1.442695020e+00, v12;
	(erf) = vpow2.f32 v7  }
0xd2: {  	s11 =	sor.u32 s9, s18;
	v16 =	vmul.f32 $1.442695020e+00, v16;
	(erf) = vpow2.f32 v14;
	v14 =	vld [tilespmem:s31+$0x0]  }
0xd3: {  	v21 =	vld [tilespmem:s11+$0x0];
	(erf) = vpow2.f32 v8;
	v20 =	vmul.f32 $1.442695020e+00, v9  }
0xd4: {  	v22 =	vld [tilespmem:s11+$0x80];
	v7 =	vpop (erf);
	(erf) = vpow2.f32 v12;
	v12 =	vmul.f32 $1.442695020e+00, v10  }
0xd5: {  	v8 =	vpop (erf);
	(erf) = vpow2.f32 v16;
	v16 =	vmul.f32 $1.442695020e+00, v19  }
0xd6: {  	v19 =	vld [tilespmem:s11+$0x100];
	v9 =	vpop (erf);
	(erf) = vpow2.f32 v20;
	v20 =	vmul.f32 $1.442695020e+00, v11  }
0xd7: {  	v23 =	vld [tilespmem:s11+$0x180];
	v10 =	vpop (erf);
	(erf) = vpow2.f32 v12;
	v14 =	vmul.f32 $1.442695020e+00, v14  }
0xd8: {  	v17 =	vsub.f32 v18, v15;
	v11 =	vpop (erf);
	(erf) = vpow2.f32 v16;
	v16 =	vmul.f32 $1.442695020e+00, v21;
	v21 =	vld [tilespmem:s11+$0x200]  }
0xd9: {  	v12 =	vpop (erf);
	(erf) = vpow2.f32 v20;
	v20 =	vmul.f32 $1.442695020e+00, v22;
	v22 =	vld [tilespmem:s11+$0x280]  }
0xda: {  	v25 =	vld [tilespmem:s11+$0x300];
	v31 =	vmul.f32 v17, v24;
	v13 =	vpop (erf);
	(erf) = vpow2.f32 v14  }
0xdb: {  	v28 =	vld [tilespmem:s11+$0x380];
	v19 =	vmul.f32 $1.442695020e+00, v19;
	v14 =	vpop (erf);
	(erf) = vpow2.f32 v16  }
0xdc: {  	s18 =	sor.u32 s9, s17;
	v15 =	vpop (erf);
	(erf) = vpow2.f32 v20;
	v20 =	vmul.f32 $1.442695020e+00, v23  }
0xdd: {  	s19 =	sor.u32 s9, s14;
	v23 =	vld [tilespmem:s18+$0x0];
	v16 =	vpop (erf);
	(erf) = vpow2.f32 v19;
	v21 =	vmul.f32 $1.442695020e+00, v21  }
0xde: {  	s0 =	sor.u32 s9, s0;
	v29 =	vld [tilespmem:s19+$0x0];
	v17 =	vpop (erf);
	v22 =	vmul.f32 $1.442695020e+00, v22;
	(erf) = vpow2.f32 v20  }
0xdf: {  	v30 =	vld [tilespmem:s0+$0x0];
	s20 =	sor.u32 s9, s12;
	v25 =	vmul.f32 $1.442695020e+00, v25;
	v18 =	vpop (erf);
	(erf) = vpow2.f32 v21  }
0xe0: {  	v60 =	vld [tilespmem:s20+$0x0];
	s21 =	sor.u32 s9, s1;
	v28 =	vmul.f32 $1.442695020e+00, v28;
	v19 =	vpop (erf);
	(erf) = vpow2.f32 v22  }
0xe1: {  	s28 =	sor.u32 s9, s2;
	v61 =	vld [tilespmem:s21+$0x0];
	v20 =	vpop (erf);
	(erf) = vpow2.f32 v25  }
.Ltmp4:
0xe2: {  	s29 =	sor.u32 s9, s3;
	v22 =	vmul.f32 $1.442695020e+00, v23;
	v25 =	vld [tilespmem:s28+$0x0];
	v21 =	vpop (erf);
	(erf) = vpow2.f32 v28;
	v28 =	vadd.f32 v26, v1;
	(pc) =	sbr.rel @!p1 .LBB2_6-.Ltmp4, $4  }
0xe3: {  	v2 =	vadd.f32 v27, v2;
	v62 =	vmul.f32 $1.442695020e+00, v29;
	v29 =	vld [tilespmem:s29+$0x0];
	s31 =	sor.u32 s9, s13;
	v23 =	vpop (erf)  }
0xe4: {  	v63 =	vmul.f32 $1.442695020e+00, v30;
	v30 =	vld [tilespmem:s31+$0x0];
	s11 =	simm.s32 $0x8C10;
	(erf) = vpow2.f32 v22;
	v26 =	vpop (erf)  }
0xe5: {  	v1 =	vadd.f32 v31, v2;
	v31 =	vmul.f32 $1.442695020e+00, v60;
	v22 =	vld [tilespmem:s11+$0x0];
	(erf) = vpow2.f32 v62;
	v27 =	vpop (erf)  }
0xe6: {  	s12 =	simm.s32 $0x100;
	s9 =	simm.s32 $0x8410;
	v32 =	vmul.f32 $1.442695020e+00, v61;
	v2 =	vadd.f32 v24, v28;
	v24 =	vld [tilespmem:s11+$0xFFFFFFF0];
	(erf) = vpow2.f32 v63;
	v28 =	vpop (erf)  }
.LBB2_5:
0xe7: {  	s18 =	sand.u32 $0x1C00, s12;
	v25 =	vmul.f32 $1.442695020e+00, v25;
	v33 =	vld [tilespmem:s9+$0x0];
	v3 =	vshll.u32 v3, $0x3;
	s25 =	sadd.s32 $0x20, s25;
	v34 =	vpop (erf);
	(erf) = vpow2.f32 v31  }
0xe8: {  	v4 =	vand.u32 $0x6F, v4;
	s20 =	sor.u32 $0x4000, s18;
	s28 =	sand.u32 $0x70, s25;
	v29 =	vmul.f32 $1.442695020e+00, v29;
	v31 =	vld [tilespmem:s9+$0xFFFFFFF0];
	v35 =	vpop (erf);
	(erf) = vpow2.f32 v32  }
0xe9: {  	v6 =	vshll.u32 v6, $0x3;
	s0 =	sor.u32 s28, s20;
	v30 =	vmul.f32 $1.442695020e+00, v30;
	v32 =	vpop (erf);
	(erf) = vpow2.f32 v25  }
0xea: {  	v6 =	vand.u32 $0x1C00, v6;
	v3 =	vand.u32 $0x1C00, v3;
	v36 =	vld [tilespmem:s0+$0x0];
	v37 =	vpop (erf);
	(erf) = vpow2.f32 v29  }
0xeb: {  	v4 =	vor.u32 v6, v4;
	v25 =	vor.u32 v3, v5;
	v29 =	vld [tilespmem:s0+$0x80];
	v38 =	vpop (erf);
	(erf) = vpow2.f32 v30  }
0xec: {  	v5 =	vmul.f32 v22, v22;
	v6 =	vmul.f32 v24, v24;
	v30 =	vld [tilespmem:s0+$0x100];
	v3 =	vshll.u32 v33, $0x7  }
0xed: {  	v33 =	vshll.u32 v33, $0xA;
	v24 =	vld [tilespmem:s0+$0x180];
	v22 =	vshll.u32 v31, $0xA;
	v31 =	vshll.u32 v31, $0x7;
	v39 =	vpop (erf)  }
0xee: {  	v8 =	vadd.f32 v8, v7;
	v9 =	vadd.f32 v10, v9;
	v3 =	vand.u32 $0x380, v3;
	v40 =	vld [tilespmem:s0+$0x200];
	v10 =	vpop (erf)  }
0xef: {  	v11 =	vadd.f32 v12, v11;
	v12 =	vadd.f32 v14, v13;
	v7 =	vand.u32 $0xFFFFE000, v33;
	v41 =	vld [tilespmem:s0+$0x280];
	v13 =	vpop (erf)  }
0xf0: {  	v15 =	vadd.f32 v16, v15;
	v16 =	vadd.f32 v18, v17;
	s29 =	sor.u32 $0x6000, s18;
	v33 =	vmul.f32 $1.442695020e+00, v36;
	v14 =	vld [tilespmem:s0+$0x300];
	v17 =	vpop (erf)  }
0xf1: {  	v19 =	vadd.f32 v20, v19;
	v20 =	vadd.f32 v23, v21;
	s3 =	sor.u32 $0x6080, s18;
	v29 =	vmul.f32 $1.442695020e+00, v29;
	v18 =	vld [tilespmem:s0+$0x380];
	s0 =	sor.u32 s28, s29;
	v21 =	vpop (erf)  }
0xf2: {  	v26 =	vadd.f32 v27, v26;
	s19 =	sor.u32 $0x6100, s18;
	v27 =	vadd.f32 v34, v28;
	v30 =	vmul.f32 $1.442695020e+00, v30;
	v23 =	vld [tilespmem:s0+$0x0];
	s0 =	sor.u32 s28, s3;
	v28 =	vpop (erf)  }
0xf3: {  	s17 =	sor.u32 $0x6180, s18;
	v32 =	vadd.f32 v32, v35;
	v35 =	vadd.f32 v38, v37;
	v24 =	vmul.f32 $1.442695020e+00, v24;
	v34 =	vld [tilespmem:s0+$0x0];
	s0 =	sor.u32 s28, s19;
	v36 =	vpop (erf)  }
0xf4: {  	s2 =	sor.u32 $0x6200, s18;
	v10 =	vadd.f32 v10, v39;
	v13 =	vadd.f32 v17, v13;
	v38 =	vmul.f32 $1.442695020e+00, v40;
	v37 =	vld [tilespmem:s0+$0x0];
	s0 =	sor.u32 s28, s17;
	v17 =	vpop (erf)  }
0xf5: {  	s13 =	sor.u32 $0x6280, s18;
	v21 =	vadd.f32 v28, v21;
	v40 =	vmul.f32 $1.442695020e+00, v41;
	v39 =	vld [tilespmem:s0+$0x0];
	s0 =	sor.u32 s28, s2;
	v17 =	vadd.f32 v17, v36  }
0xf6: {  	s14 =	sor.u32 $0x6300, s18;
	v8 =	vadd.f32 v9, v8;
	v9 =	vadd.f32 v12, v11;
	v14 =	vmul.f32 $1.442695020e+00, v14;
	v28 =	vld [tilespmem:s0+$0x0];
	s0 =	sor.u32 s28, s13  }
0xf7: {  	v12 =	vmul.f32 $1.442695020e+00, v18;
	v18 =	vadd.f32 v27, v26;
	v26 =	vadd.f32 v35, v32;
	v11 =	vld [tilespmem:s0+$0x0];
	s0 =	sor.u32 s28, s14  }
0xf8: {  	s31 =	sor.u32 $0x6380, s18;
	v10 =	vadd.f32 v13, v10;
	v23 =	vmul.f32 $1.442695020e+00, v23;
	v13 =	vadd.f32 v17, v21;
	v27 =	vld [tilespmem:s0+$0x0]  }
0xf9: {  	s18 =	sadd.s32 $0xFFFFFFF0, s25;
	v15 =	vadd.f32 v16, v15;
	v16 =	vadd.f32 v20, v19;
	s0 =	sor.u32 s28, s31;
	v17 =	vmul.f32 $1.442695020e+00, v34  }
0xfa: {  	p1 =	slt.u32 s18, $0x3E0;
	s28 =	sand.u32 $0x60, s18;
	v18 =	vadd.f32 v26, v18;
	v20 =	vmul.f32 $1.442695020e+00, v37;
	v10 =	vadd.f32 v13, v10;
	v19 =	vld [tilespmem:s0+$0x0]  }
0xfb: {  	v8 =	vadd.f32 v9, v8;
	s0 =	sor.u32 s28, s20;
	v13 =	vmul.f32 $1.442695020e+00, v39;
	v21 =	vmul.f32 $1.442695020e+00, v28  }
0xfc: {  	v18 =	vadd.f32 v10, v18;
	v10 =	vadd.f32 v16, v15;
	v9 =	vld [tilespmem:s0+$0x0];
	v26 =	vmul.f32 $1.442695020e+00, v11  }
0xfd: {  	v11 =	vand.u32 $0x380, v31;
	v15 =	vmul.f32 $1.442695020e+00, v27;
	(erf) = vpow2.f32 v33  }
0xfe: {  	v27 =	vand.u32 $0x7FFFFF, v18;
	v28 =	vadd.f32 v10, v8;
	v16 =	vld [tilespmem:s0+$0x80];
	(erf) = vpow2.f32 v29  }
0xff: {  	v27 =	vor.u32 $0x3F800000, v27;
	v19 =	vmul.f32 $1.442695020e+00, v19;
	(erf) = vpow2.f32 v30  }
0x100: {  	v10 =	vmul.f32 $7.915161550e-02, v27;
	v8 =	vld [tilespmem:s0+$0x100];
	(erf) = vpow2.f32 v24;
	v24 =	vand.u32 $0x7FFFFF, v28  }
0x101: {  	v29 =	vmul.f32 $1.442695020e+00, v9;
	(erf) = vpow2.f32 v38;
	v24 =	vor.u32 $0x3F800000, v24  }
0x102: {  	v10 =	vsub.f32 $6.288250080e-01, v10;
	v9 =	vld [tilespmem:s0+$0x180];
	(erf) = vpow2.f32 v40;
	v30 =	vmul.f32 $7.915161550e-02, v24  }
0x103: {  	v31 =	vmul.f32 $1.442695020e+00, v16;
	(erf) = vpow2.f32 v14;
	v14 =	vand.u32 $0xFFFFE000, v22  }
0x104: {  	v10 =	vmul.f32 v27, v10;
	v16 =	vld [tilespmem:s0+$0x200];
	(erf) = vpow2.f32 v12;
	v12 =	vsub.f32 $6.288250080e-01, v30  }
0x105: {  	v22 =	vmul.f32 $1.442695020e+00, v8;
	(erf) = vpow2.f32 v23;
	v23 =	vor.u32 v7, v25  }
0x106: {  	v25 =	vld [tilespmem:s0+$0x280];
	v7 =	vpop (erf);
	(erf) = vpow2.f32 v17;
	v17 =	vadd.f32 $-2.081084970e+00, v10;
	v12 =	vmul.f32 v24, v12  }
0x107: {  	v4 =	vor.u32 v14, v4;
	v30 =	vmul.f32 $1.442695020e+00, v9;
	v8 =	vpop (erf);
	(erf) = vpow2.f32 v20  }
0x108: {  	v9 =	vpop (erf);
	(erf) = vpow2.f32 v13;
	v13 =	vmul.f32 v27, v17;
	v20 =	vadd.f32 $-2.081084970e+00, v12  }
0x109: {  	v4 =	vor.u32 v11, v4;
	v32 =	vmul.f32 $1.442695020e+00, v16;
	v10 =	vpop (erf);
	(erf) = vpow2.f32 v21  }
0x10a: {  	v16 =	vld [tilespmem:s0+$0x300];
	v11 =	vpop (erf);
	(erf) = vpow2.f32 v26;
	v26 =	vadd.f32 $4.028400900e+00, v13;
	v17 =	vmul.f32 v24, v20  }
0x10b: {  	v3 =	vor.u32 v3, v23;
	v25 =	vmul.f32 $1.442695020e+00, v25;
	v12 =	vpop (erf);
	(erf) = vpow2.f32 v15  }
0x10c: {  	v33 =	vshra.s32 v18, $0x17;
	v20 =	vld [tilespmem:s0+$0x380];
	s0 =	sor.u32 s28, s29;
	v13 =	vpop (erf);
	v18 =	vmul.f32 v27, v26;
	v17 =	vadd.f32 $4.028400900e+00, v17  }
0x10d: {  	v23 =	vshra.s32 v28, $0x17;
	v21 =	vld [tilespmem:s0+$0x0];
	v14 =	vpop (erf);
	(erf) = vpow2.f32 v19;
	v19 =	vadd.s32 $0xFFFFFF81, v33  }
0x10e: {  	s0 =	sor.u32 s28, s3;
	v15 =	vpop (erf);
	v34 =	vadd.f32 $-2.496785400e+00, v18;
	v19 =	vcvt.s32.f32 v19;
	v4 =	vld.idx.msk [tilespmem:v4+s26+$0x0], $0xffff;
	v24 =	vmul.f32 v24, v17  }
0x10f: {  	v23 =	vadd.s32 $0xFFFFFF81, v23;
	v26 =	vld [tilespmem:s0+$0x0];
	v27 =	vmul.f32 $1.442695020e+00, v16;
	(erf) = vpow2.f32 v29;
	v16 =	vpop (erf)  }
0x110: {  	v23 =	vcvt.s32.f32 v23;
	v17 =	vpop (erf);
	v28 =	vadd.f32 v19, v34;
	v24 =	vadd.f32 $-2.496785400e+00, v24;
	v29 =	vld.idx.msk [tilespmem:v3+s26+$0x0], $0xffff  }
0x111: {  	s0 =	sor.u32 s28, s19;
	v33 =	vmul.f32 $1.442695020e+00, v20;
	(erf) = vpow2.f32 v31;
	v18 =	vpop (erf)  }
0x112: {  	v31 =	vld [tilespmem:s0+$0x0];
	(erf) = vpow2.f32 v22;
	v19 =	vpop (erf);
	v3 =	vmul.f32 $6.931471820e-01, v28;
	v22 =	vadd.f32 v23, v24  }
0x113: {  	s0 =	sor.u32 s28, s17;
	v24 =	vmul.f32 $1.442695020e+00, v21;
	v28 =	vor.u32 s25, v0;
	(erf) = vpow2.f32 v30;
	v20 =	vpop (erf)  }
0x114: {  	v34 =	vld [tilespmem:s0+$0x0];
	(erf) = vpow2.f32 v32;
	v21 =	vpop (erf);
	v4 =	vsub.f32 v3, v4;
	v22 =	vmul.f32 $6.931471820e-01, v22  }
0x115: {  	s0 =	sor.u32 s28, s2;
	v32 =	vmul.f32 $1.442695020e+00, v26;
	v3 =	vmov s25;
	(erf) = vpow2.f32 v25  }
0x116: {  	v35 =	vld [tilespmem:s0+$0x0];
	s0 =	sor.u32 s28, s13;
	(erf) = vpow2.f32 v27;
	v23 =	vpop (erf);
	v27 =	vmul.f32 v4, v6;
	v22 =	vsub.f32 v22, v29  }
.Ltmp5:
0x117: {  	v4 =	vor.u32 s18, v0;
	v25 =	vld [tilespmem:s0+$0x0];
	s0 =	sor.u32 s28, s14;
	v36 =	vmul.f32 $1.442695020e+00, v31;
	(erf) = vpow2.f32 v33;
	(pc) =	sbr.rel @p1 .LBB2_5-.Ltmp5, $4  }
0x118: {  	v2 =	vadd.f32 v6, v2;
	v29 =	vld [tilespmem:s0+$0x0];
	s0 =	sor.u32 s28, s31;
	v26 =	vpop (erf);
	v1 =	vadd.f32 v27, v1;
	v33 =	vmul.f32 v22, v5  }
0x119: {  	s11 =	sadd.s32 $0x20, s11;
	v6 =	vmov s18;
	v30 =	vld [tilespmem:s0+$0x0];
	v31 =	vmul.f32 $1.442695020e+00, v34;
	(erf) = vpow2.f32 v24  }
0x11a: {  	v2 =	vadd.f32 v5, v2;
	v22 =	vld [tilespmem:s11+$0x0];
	v27 =	vpop (erf);
	(erf) = vpow2.f32 v32;
	v1 =	vadd.f32 v33, v1  }
0x11b: {  	s12 =	sadd.s32 $0x100, s12;
	s9 =	sadd.s32 $0x20, s9;
	v5 =	vand.u32 $0x7F, v28;
	v32 =	vmul.f32 $1.442695020e+00, v35;
	v24 =	vld [tilespmem:s11+$0xFFFFFFF0];
	v28 =	vpop (erf);
	(erf) = vpow2.f32 v36  }
.LBB2_6:
0x11c: {  	v25 =	vmul.f32 $1.442695020e+00, v25;
	(erf) = vpow2.f32 v31  }
0x11d: {  	v47 =	vpop (erf);
	v29 =	vmul.f32 $1.442695020e+00, v29;
	(erf) = vpow2.f32 v32  }
0x11e: {  	v48 =	vpop (erf);
	v30 =	vmul.f32 $1.442695020e+00, v30;
	(erf) = vpow2.f32 v25  }
0x11f: {  	v49 =	vpop (erf);
	(erf) = vpow2.f32 v29  }
0x120: {  	v50 =	vpop (erf);
	(erf) = vpow2.f32 v30  }
0x121: {  	v51 =	vpop (erf)  }
0x122: {  	v7 =	vadd.f32 v8, v7;
	v52 =	vadd.f32 v10, v9;
	v33 =	vpop (erf)  }
0x123: {  	v54 =	vadd.f32 v12, v11;
	v55 =	vadd.f32 v14, v13;
	v53 =	vpop (erf)  }
0x124: {  	v57 =	vadd.f32 v16, v15;
	v58 =	vadd.f32 v18, v17;
	v56 =	vpop (erf)  }
0x125: {  	v60 =	vadd.f32 v20, v19;
	v61 =	vadd.f32 v23, v21;
	v59 =	vpop (erf)  }
0x126: {  	v63 =	vadd.f32 v27, v26;
	v34 =	vadd.f32 v47, v28;
	v62 =	vpop (erf)  }
0x127: {  	v7 =	vadd.f32 v52, v7;
	v40 =	vadd.f32 v55, v54;
	v35 =	vpop (erf)  }
0x128: {  	v36 =	vadd.f32 v49, v48;
	v37 =	vadd.f32 v51, v50;
	v38 =	vpop (erf)  }
0x129: {  	v9 =	vadd.f32 v53, v33;
	v12 =	vadd.f32 v59, v56;
	v39 =	vpop (erf)  }
0x12a: {  	v18 =	vadd.f32 v35, v62;
	v15 =	vadd.f32 v39, v38  }
0x12b: {  	v41 =	vadd.f32 v34, v63;
	v42 =	vadd.f32 v37, v36  }
0x12c: {  	v9 =	vadd.f32 v12, v9;
	v43 =	vadd.f32 v15, v18  }
0x12d: {  	v13 =	vadd.f32 v58, v57;
	v44 =	vadd.f32 v61, v60  }
0x12e: {  	v10 =	vadd.f32 v42, v41;
	v9 =	vadd.f32 v43, v9  }
0x12f: {  	v7 =	vadd.f32 v40, v7  }
0x130: {  	v46 =	vadd.f32 v44, v13;
	v45 =	vadd.f32 v9, v10;
	_ =	sdelay $0x1  }
0x131: {  	v7 =	vadd.f32 v46, v7;
	v10 =	vand.u32 $0x7FFFFF, v45  }
0x132: {  	v10 =	vor.u32 $0x3F800000, v10  }
0x133: {  	v48 =	vld [tilespmem:s9+$0xFFFFFFF0];
	v50 =	vand.u32 $0x7FFFFF, v7;
	v49 =	vmul.f32 $7.915161550e-02, v10  }
0x134: {  	v13 =	vor.u32 $0x3F800000, v50  }
0x135: {  	v51 =	vmul.f32 $7.915161550e-02, v13;
	v12 =	vsub.f32 $6.288250080e-01, v49  }
0x136: {  	v3 =	vshll.u32 v3, $0x3;
	v6 =	vshll.u32 v6, $0x3;
	v4 =	vand.u32 $0x6F, v4  }
0x137: {  	v47 =	vld [tilespmem:s9+$0x0];
	v6 =	vand.u32 $0x1C00, v6;
	v53 =	vsub.f32 $6.288250080e-01, v51;
	v52 =	vmul.f32 v10, v12  }
0x138: {  	v3 =	vand.u32 $0x1C00, v3;
	v4 =	vor.u32 v6, v4;
	v55 =	vshll.u32 v48, $0xA  }
0x139: {  	v11 =	vshll.u32 v48, $0x7;
	v12 =	vmul.f32 v13, v53;
	v6 =	vadd.f32 $-2.081084970e+00, v52  }
0x13a: {  	v3 =	vor.u32 v3, v5;
	v14 =	vand.u32 $0xFFFFE000, v55;
	v11 =	vand.u32 $0x380, v11  }
0x13b: {  	v4 =	vor.u32 v14, v4;
	v12 =	vadd.f32 $-2.081084970e+00, v12;
	v6 =	vmul.f32 v10, v6  }
0x13c: {  	v54 =	vshll.u32 v47, $0x7;
	v4 =	vor.u32 v11, v4;
	v9 =	vshll.u32 v47, $0xA  }
0x13d: {  	v9 =	vand.u32 $0xFFFFE000, v9;
	v56 =	vmul.f32 v13, v12;
	v6 =	vadd.f32 $4.028400900e+00, v6  }
0x13e: {  	v5 =	vand.u32 $0x380, v54;
	v3 =	vor.u32 v9, v3;
	v57 =	vshra.s32 v45, $0x17  }
0x13f: {  	v3 =	vor.u32 v5, v3;
	v58 =	vadd.f32 $4.028400900e+00, v56;
	v6 =	vmul.f32 v10, v6  }
0x140: {  	v7 =	vshra.s32 v7, $0x17;
	v5 =	vadd.s32 $0xFFFFFF81, v57  }
0x141: {  	v5 =	vcvt.s32.f32 v5;
	v8 =	vmul.f32 v13, v58;
	v6 =	vadd.f32 $-2.496785400e+00, v6  }
0x142: {  	v7 =	vadd.s32 $0xFFFFFF81, v7;
	v4 =	vld.idx.msk [tilespmem:v4+s26+$0x0], $0xffff  }
0x143: {  	v7 =	vcvt.s32.f32 v7;
	v59 =	vadd.f32 $-2.496785400e+00, v8;
	v5 =	vadd.f32 v5, v6  }
0x144: {  	v3 =	vld.idx.msk [tilespmem:v3+s26+$0x0], $0xffff  }
0x145: {  	v6 =	vadd.f32 v7, v59;
	v5 =	vmul.f32 $6.931471820e-01, v5;
	_ =	sdelay $0x1  }
0x146: {  	v60 =	vmul.f32 v24, v24;
	v61 =	vmul.f32 $6.931471820e-01, v6;
	v4 =	vsub.f32 v5, v4;
	_ =	sdelay $0x1  }
0x147: {  	v62 =	vmul.f32 v22, v22;
	v3 =	vsub.f32 v61, v3;
	v4 =	vmul.f32 v4, v60  }
.Ltmp6:
0x148: {  	_ = 	snop;
	(pc) =	sbr.rel @p0 .LBB2_8-.Ltmp6, $3  }
0x149: {  	v63 =	vadd.f32 v60, v2;
	v2 =	vmul.f32 v3, v62;
	v1 =	vadd.f32 v4, v1;
	_ =	sdelay $0x1  }
0x14a: {  	v2 =	vadd.f32 v2, v1  }
0x14b: {  	v1 =	vadd.f32 v62, v63  }
0x14c: {  	s0 =	rddreg [dreg:$0xb]  }
0x14d: {  	s0 =	sadd.s32 s10, s0  }
0x14e: {  	s1 =	sor.u32 s7, s0  }
0x14f: {  	s2 =	rddreg [dreg:$0x0];
	s25 =	simm.s32 $0x2000;
	s1 =	sshrl.u32 s1, $0x3  }
0x150: {  	s3 =	simm.s32 $0x80000;
	s0 =	sadd.s32 s8, s0;
	s1 =	sadd.s32 s2, s1  }
0x151: {  	[tilespmem:s26], [sflag:$0x2] =	stream.strided.gather [hbm4b:s1+s25], $0x4000, s3, s25, $0x38;
	[tilespmem:$0x9080] =	vst v63  }
.Ltmp7:
0x152: {  	s28 =	rddreg [dreg:$0x1];
	s0 =	sshrl.u32 s0, $0x3;
	(pc) =	sbr.rel .LBB2_2-.Ltmp7, $4  }
0x153: {  	s29 =	simm.s32 $0x8400;
	s1 =	sadd.s32 s28, s0  }
0x154: {  	[tilespmem:s29], [sflag:$0x2] =	stream.strided.gather [hbm4b:s1+s22], $0x400, s23, s22, $0x38;
	[tilespmem:$0x9080] =	vst v63  }
0x155: {  	s31 =	simm.s32 $0x8C00;
	s24 =	sadd.s32 $0x1, s24;
	s0 =	sadd.s32 s16, s0  }
0x156: {  	[tilespmem:s31], [sflag:$0x2] =	stream.strided.gather [hbm4b:s0+s22], $0x400, s23, s22, $0x38;
	[tilespmem:$0x9080] =	vst v63  }
.LBB2_9:
0x157: {  	_ =	sfence.sel $0x180000  }
0x158: {  	[bflag:$0x0] =	sbarrier.arrive $0xFFFF  }
0x159: {  	_ =	strace $0x90000047  }
0x15a: {  	s0 =	stileid.u32;
	[bflag:$0x2] =	sbarrier.arrive $0xFFFF  }
0x15b: {  	p0 =	sne.s32 s0, $0x0;
	s0 =	rddreg [dreg:$0x4]  }
0x15c: {  	s0 =	sadd.s32 @!p0 $0x100000, s0  }
0x15d: {  	[sflag:s0] =	ssyncadd.tile.s32 @!p0 $0x1;
	_ =	shalt  }
.Lfunc_end2:
_tile_overlayer_lowered:
.L_overlay_start_2:
0x15e: {  	(tag) =	ssettag $0x2  }
0x15f: {  	s0 =	rddreg [dreg:$0x0];
	s2 =	stileid.u32  }
0x160: {  	s1 =	rddreg [dreg:$0x1];
	p0 =	sne.s32 s2, $0x0  }
0x161: {  	s3 =	rddreg [dreg:$0x2];
	[bflag:$0x3] =	sbarrier.arrive $0xFFFF;
	s2 =	simm.s32 @!p0 $0x1C03  }
0x162: {  	[timem:s3], [sflag:s2] =	dma.local @!p0 [hbm:s0], s1  }
0x163: {  	s0 =	simm.s32 @!p0 $0x3  }
0x164: {  	_ =	swait.ge @!p0 [sflag:s0], s1  }
0x165: {  	s1 =	ssub.s32 @!p0 $0x0, s1;
	[sflag:s0] =	ssyncset.done @!p0 $0x0  }
0x166: {  	[sflag:s0] =	ssyncadd.s32 @!p0 s1  }
0x167: {  	[bflag:$0x3] =	sbarrier.arrive $0xFFFF  }
0x168: {  	_ =	shalt  }

</sc_bundles>
